<compile_context>
chip_gen: v7x
topology: tpu7x:2x2x1
jax: 0.10.2.dev20260603
libtpu: 0.0.44.dev20260713+nightly
codegen_flags: <defaults>
</compile_context>

<pallas_src>
import functools

import jax
import jax.numpy as jnp
from jax import lax
from jax.experimental import pallas as pl
from jax.experimental.pallas import tpu as pltpu
from jax.experimental.pallas import tpu_sc as plsc

B = 32
L = 12
N = 883
C = 3
NPAD = 896
MBLK = 448
NBLK = NPAD // MBLK
HID = 128
EMBED = 32
NODE_DIM = 40
TOPK = 20
TOD = 288
DOW = 7
DOWP = 8
SEQ_OUT = 12
F = L * C
FPAD = 40

_HI = jax.lax.Precision.HIGHEST


def _dot(a, b, prec=_HI):
    return jax.lax.dot_general(a, b, (((1,), (0,)), ((), ())),
                               precision=prec, preferred_element_type=jnp.float32)


def _dot_t(a, b, prec=_HI):
    return jax.lax.dot_general(a, b, (((1,), (1,)), ((), ())),
                               precision=prec, preferred_element_type=jnp.float32)


def _split_hl(x):
    h = x.astype(jnp.bfloat16).astype(jnp.float32)
    return h, x - h


def _dot3(a, b):
    d = jax.lax.Precision.DEFAULT
    ah, al = _split_hl(a)
    bh, bl = _split_hl(b)
    return _dot(ah, bh, d) + (_dot(ah, bl, d) + _dot(al, bh, d))


def _count_cols(mask, ones_col):
    return jax.lax.dot_general(mask.astype(jnp.bfloat16), ones_col,
                               (((1,), (0,)), ((), ())),
                               preferred_element_type=jnp.float32)


def _kth_threshold(adj, k):
    m = adj.shape[0]
    f32, i32 = jnp.float32, jnp.int32
    bits = jax.lax.bitcast_convert_type(adj, i32)
    qa = jax.lax.bitcast_convert_type(
        jnp.bitwise_and(bits, jnp.int32(-65536)), f32)
    qb = qa.astype(jnp.bfloat16)
    kf = float(k)

    def grid_val(g):
        return jax.lax.bitcast_convert_type(g << 16, f32)

    lo = jnp.zeros((m, 1), i32)
    hi = jnp.full((m, 1), 0x3F81, i32)
    above = jnp.zeros((m, 1), f32)
    for _ in range(14):
        mid = (lo + hi) >> 1
        t = grid_val(mid).astype(jnp.bfloat16)
        c = jnp.sum((qb >= t).astype(f32), axis=1, keepdims=True)
        take = c >= kf
        lo = jnp.where(take, mid, lo)
        hi = jnp.where(take, hi, mid)
        above = jnp.where(take, above, c)
    qthr = grid_val(lo)
    work = jnp.where(qa == qthr, adj, -1.0)
    krem = kf - above

    def _fix_step(carry):
        work, kr, thr = carry
        cur = jnp.max(work, axis=1, keepdims=True)
        eq = work == cur
        cnt = jnp.sum(eq.astype(f32), axis=1, keepdims=True)
        active = kr > 0.0
        thr = jnp.where(active, cur, thr)
        kr = kr - jnp.where(active, cnt, 0.0)
        work = jnp.where(eq, -1.0, work)
        return work, kr, thr

    carry = (work, krem, jnp.full((m, 1), 2.0, f32))
    carry = _fix_step(carry)
    carry = _fix_step(carry)
    _, _, thr = lax.while_loop(lambda cy: jnp.any(cy[1] > 0.0), _fix_step,
                               carry)
    return thr



_SC_BN = B * NPAD
_SC_ROWS = _SC_BN // 32


def _sc_gather_body(tidtab_hbm, diwtab_hbm, tidx_hbm, didx_hbm,
                    out_t_hbm, out_d_hbm,
                    idx1_v, rows1_v, idx2_v, rows2_v, sem1, sem2):
    wid = lax.axis_index("s") * 2 + lax.axis_index("c")
    base = wid * _SC_ROWS
    pltpu.sync_copy(tidx_hbm.at[pl.ds(base, _SC_ROWS)], idx1_v)
    pltpu.sync_copy(didx_hbm.at[pl.ds(base, _SC_ROWS)], idx2_v)
    c1 = pltpu.async_copy(tidtab_hbm.at[idx1_v], rows1_v, sem1)
    c2 = pltpu.async_copy(diwtab_hbm.at[idx2_v], rows2_v, sem2)
    c1.wait()
    c2.wait()
    pltpu.sync_copy(rows1_v, out_t_hbm.at[pl.ds(base, _SC_ROWS)])
    pltpu.sync_copy(rows2_v, out_d_hbm.at[pl.ds(base, _SC_ROWS)])


def _sc_gather(tid_tab, diw_tab, tid_idx, diw_idx):
    f32 = jnp.float32
    k = functools.partial(
        pl.kernel,
        out_type=[jax.ShapeDtypeStruct((_SC_BN, EMBED), f32),
                  jax.ShapeDtypeStruct((_SC_BN, EMBED), f32)],
        mesh=plsc.VectorSubcoreMesh(core_axis_name="c", subcore_axis_name="s"),
        compiler_params=pltpu.CompilerParams(use_tc_tiling_on_sc=False),
        scratch_types=[
            pltpu.VMEM((_SC_ROWS,), jnp.int32),
            pltpu.VMEM((_SC_ROWS, EMBED), f32),
            pltpu.VMEM((_SC_ROWS,), jnp.int32),
            pltpu.VMEM((_SC_ROWS, EMBED), f32),
            pltpu.SemaphoreType.DMA,
            pltpu.SemaphoreType.DMA,
        ],
    )(_sc_gather_body)
    return k(tid_tab, diw_tab, tid_idx, diw_idx)


def _prep_body(x_ref, temb_ref, demb_ref, node_ref,
               wts_ref, bts_ref, w1a_ref, b1a_ref, w1b_ref, b1b_ref,
               w1c_ref, b1c_ref, emb1_ref, h_ref, nv_ref):
    x = x_ref[0]
    ts = _dot3(x, wts_ref[...]) + bts_ref[...]
    ge = jnp.concatenate([ts, node_ref[...], temb_ref[0], demb_ref[0]], axis=1)
    h_ref[0] = ge
    h1 = jax.nn.relu(_dot3(ge, w1a_ref[...]) + b1a_ref[...])
    h2 = jax.nn.relu(_dot3(h1, w1b_ref[...]) + b1b_ref[...])
    f1 = _dot3(h2, w1c_ref[...]) + b1c_ref[...]
    nv_ref[0] = jnp.tanh(emb1_ref[...] * f1)



def _static_body(ed_ref, eu_ref, out_ref):
    r = jax.nn.relu(_dot_t(ed_ref[...], eu_ref[...]))
    col = lax.broadcasted_iota(jnp.int32, (MBLK, NPAD), 1)
    valid = col < N
    r = jnp.where(valid, r, -jnp.inf)
    mx = jnp.max(r, axis=1, keepdims=True)
    e = jnp.where(valid, jnp.exp(r - mx), 0.0)
    sg = e / jnp.sum(e, axis=1, keepdims=True)
    thr = _kth_threshold(sg, TOPK)
    gt = sg > thr
    n_gt = _count_cols(gt, jnp.ones((NPAD, 1), jnp.bfloat16))
    need = float(TOPK) - n_gt
    tie = (sg == thr).astype(jnp.float32)
    ia = lax.broadcasted_iota(jnp.int32, (NPAD, NPAD), 0)
    ib = lax.broadcasted_iota(jnp.int32, (NPAD, NPAD), 1)
    tri = (ia < ib).astype(jnp.float32)
    prefix = jax.lax.dot_general(tie, tri, (((1,), (0,)), ((), ())),
                                 preferred_element_type=jnp.float32)
    keep = gt | ((tie > 0.0) & (prefix < need))
    out_ref[...] = jnp.where(keep, sg, 0.0)



def _fused_body(nv_ref, h_ref, sg_ref, wf_ref, bf_ref, out_ref):
    i = pl.program_id(1)
    nv = nv_ref[0]
    nvb = nv_ref[0, pl.ds(i * MBLK, MBLK), :]
    dflt0 = jax.lax.Precision.DEFAULT
    nvh, nvl = _split_hl(nv)
    nvbh, nvbl = _split_hl(nvb)
    a = _dot_t(nvbh, nvh, dflt0) + (_dot_t(nvbh, nvl, dflt0)
                                    + _dot_t(nvbl, nvh, dflt0))
    adj = jax.nn.relu(jnp.tanh(a))
    thr = _kth_threshold(adj, TOPK)
    dyn = jnp.where(adj >= thr, adj, 0.0)
    h = h_ref[0]
    dflt = jax.lax.Precision.DEFAULT
    hd = _dot(dyn, h, dflt)
    hs = _dot(sg_ref[pl.ds(i * MBLK, MBLK), :], h, dflt)
    hres = h_ref[0, pl.ds(i * MBLK, MBLK), :]
    fused = jax.nn.relu(hs + hd + hres)
    out_ref[0] = _dot(fused, wf_ref[...], dflt) + bf_ref[...]



def _pad_rows(arr, rows):
    return jnp.pad(arr, ((0, rows - arr.shape[0]),) + ((0, 0),) * (arr.ndim - 1))


@jax.jit
def kernel(history_data, TID, DIW, node_emb, node_emb_u, node_emb_d, emb1_w,
           emb2_w, Wts, bts, W1a, b1a, W1b, b1b, W1c, b1c, W2a, b2a, W2b,
           b2b, W2c, b2c, W_fore, b_fore):
    f32 = jnp.float32
    x = history_data.transpose(0, 2, 1, 3).reshape(B, N, F)
    x = jnp.pad(x, ((0, 0), (0, NPAD - N), (0, FPAD - F)))
    tid_idx = (history_data[:, -1, :, 1] * TOD).astype(jnp.int32)
    diw_idx = (history_data[:, -1, :, 2] * DOW).astype(jnp.int32)
    tid_idx = jnp.pad(tid_idx, ((0, 0), (0, NPAD - N))).reshape(_SC_BN)
    diw_idx = jnp.pad(diw_idx, ((0, 0), (0, NPAD - N))).reshape(_SC_BN)

    node_p = _pad_rows(node_emb, NPAD)
    emb1_p = _pad_rows(emb1_w, NPAD)
    eu_p = _pad_rows(node_emb_u, NPAD)
    ed_p = _pad_rows(node_emb_d, NPAD)
    diw_tab = _pad_rows(DIW, DOWP)
    wts_p = _pad_rows(Wts, FPAD)

    temb, demb = _sc_gather(TID, diw_tab, tid_idx, diw_idx)
    temb = temb.reshape(B, NPAD, EMBED)
    demb = demb.reshape(B, NPAD, EMBED)

    h, nv = pl.pallas_call(
        _prep_body,
        grid=(B,),
        in_specs=[
            pl.BlockSpec((1, NPAD, FPAD), lambda b: (b, 0, 0)),
            pl.BlockSpec((1, NPAD, EMBED), lambda b: (b, 0, 0)),
            pl.BlockSpec((1, NPAD, EMBED), lambda b: (b, 0, 0)),
            pl.BlockSpec((NPAD, EMBED), lambda b: (0, 0)),
            pl.BlockSpec((FPAD, EMBED), lambda b: (0, 0)),
            pl.BlockSpec((1, EMBED), lambda b: (0, 0)),
            pl.BlockSpec((HID, 64), lambda b: (0, 0)),
            pl.BlockSpec((1, 64), lambda b: (0, 0)),
            pl.BlockSpec((64, 64), lambda b: (0, 0)),
            pl.BlockSpec((1, 64), lambda b: (0, 0)),
            pl.BlockSpec((64, NODE_DIM), lambda b: (0, 0)),
            pl.BlockSpec((1, NODE_DIM), lambda b: (0, 0)),
            pl.BlockSpec((NPAD, NODE_DIM), lambda b: (0, 0)),
        ],
        out_specs=[
            pl.BlockSpec((1, NPAD, HID), lambda b: (b, 0, 0)),
            pl.BlockSpec((1, NPAD, NODE_DIM), lambda b: (b, 0, 0)),
        ],
        out_shape=[
            jax.ShapeDtypeStruct((B, NPAD, HID), f32),
            jax.ShapeDtypeStruct((B, NPAD, NODE_DIM), f32),
        ],
    )(x, temb, demb, node_p, wts_p, bts[None],
      W1a, b1a[None], W1b, b1b[None], W1c, b1c[None], emb1_p)

    static_graph = pl.pallas_call(
        _static_body,
        grid=(NBLK,),
        in_specs=[
            pl.BlockSpec((MBLK, EMBED), lambda i: (i, 0)),
            pl.BlockSpec((NPAD, EMBED), lambda i: (0, 0)),
        ],
        out_specs=pl.BlockSpec((MBLK, NPAD), lambda i: (i, 0)),
        out_shape=jax.ShapeDtypeStruct((NPAD, NPAD), f32),
    )(ed_p, eu_p)

    out = pl.pallas_call(
        _fused_body,
        grid=(B, NBLK),
        in_specs=[
            pl.BlockSpec((1, NPAD, NODE_DIM), lambda b, i: (b, 0, 0)),
            pl.BlockSpec((1, NPAD, HID), lambda b, i: (b, 0, 0)),
            pl.BlockSpec((NPAD, NPAD), lambda b, i: (0, 0)),
            pl.BlockSpec((HID, SEQ_OUT), lambda b, i: (0, 0)),
            pl.BlockSpec((1, SEQ_OUT), lambda b, i: (0, 0)),
        ],
        out_specs=pl.BlockSpec((1, MBLK, SEQ_OUT), lambda b, i: (b, i, 0)),
        out_shape=jax.ShapeDtypeStruct((B, NPAD, SEQ_OUT), f32),
    )(nv, h, static_graph, W_fore, b_fore[None])

    return out[:, :N, :]

# --- scband reference (transcript-rebuilt; emitter-appended) ---
"""Pipeline reference for scband-destgnn-18021682774695 (READ-ONLY COPY).

The authoritative reference and input builder live on the scoring server;
editing this copy changes nothing except your own understanding.
"""

import jax, jax.numpy as jnp
import numpy as np

B = 32; L = 12; N = 883; C = 3
EMBED = 32; NODE_DIM_TCN = 32; TID_D = 32; DIW_D = 32
NODE_HIDDEN = 32; NODE_DIM = 40; TOPK = 20
TOD = 288; DOW = 7; SEQ_OUT = 12
HID = EMBED + NODE_DIM_TCN + TID_D + DIW_D  # 128, matches Linear(128, 64)


def _mlp(x, Wa, ba, Wb, bb, Wc, bc):
    # Sequential(fc1, dropout(eval=id), relu, fc2, dropout, relu, fc3, dropout)
    h = jax.nn.relu(x @ Wa + ba)
    h = jax.nn.relu(h @ Wb + bb)
    return h @ Wc + bc


def setup_inputs(seed: int = 0):
    key = jax.random.key(seed)
    ks = jax.random.split(key, 26)
    def nrm(k, shape, s=0.1):
        return jax.random.normal(k, shape, dtype=jnp.float32) * s
    return {
        'history_data': jax.random.uniform(ks[0], (B, L, N, C), dtype=jnp.float32),
        'TID': nrm(ks[1], (TOD, TID_D)),
        'DIW': nrm(ks[2], (DOW, DIW_D)),
        'node_emb': nrm(ks[3], (N, NODE_DIM_TCN)),
        'node_emb_u': nrm(ks[4], (N, NODE_HIDDEN)),
        'node_emb_d': nrm(ks[5], (N, NODE_HIDDEN)),
        'emb1_w': nrm(ks[6], (N, NODE_DIM)),
        'emb2_w': nrm(ks[7], (N, NODE_DIM)),
        'Wts': nrm(ks[8], (C * L, EMBED)),
        'bts': jnp.zeros((EMBED,), jnp.float32),
        'W1a': nrm(ks[9], (HID, 64)), 'b1a': jnp.zeros((64,), jnp.float32),
        'W1b': nrm(ks[10], (64, 64)), 'b1b': jnp.zeros((64,), jnp.float32),
        'W1c': nrm(ks[11], (64, NODE_DIM)), 'b1c': jnp.zeros((NODE_DIM,), jnp.float32),
        'W2a': nrm(ks[12], (HID, 64)), 'b2a': jnp.zeros((64,), jnp.float32),
        'W2b': nrm(ks[13], (64, 64)), 'b2b': jnp.zeros((64,), jnp.float32),
        'W2c': nrm(ks[14], (64, NODE_DIM)), 'b2c': jnp.zeros((NODE_DIM,), jnp.float32),
        'W_fore': nrm(ks[15], (HID, SEQ_OUT)),
        'b_fore': jnp.zeros((SEQ_OUT,), jnp.float32),
    }


def reference(history_data, TID, DIW, node_emb, node_emb_u, node_emb_d, emb1_w, emb2_w,
              Wts, bts, W1a, b1a, W1b, b1b, W1c, b1c, W2a, b2a, W2b, b2b, W2c, b2c,
              W_fore, b_fore):
    # ---- _stemb ----
    tid_idx = (history_data[:, -1, :, 1] * TOD).astype(jnp.int32)   # [B, N]
    diw_idx = (history_data[:, -1, :, 2] * DOW).astype(jnp.int32)   # [B, N]
    time_in_day_emb = TID[tid_idx]                                  # gather [B, N, 32]
    day_in_week_emb = DIW[diw_idx]                                  # gather [B, N, 32]
    spatial_emb = jnp.broadcast_to(node_emb[None], (B, N, NODE_DIM_TCN)).transpose(0, 2, 1)[..., None]
    temporal_d_emb = time_in_day_emb.transpose(0, 2, 1)[..., None]
    temporal_w_emb = day_in_week_emb.transpose(0, 2, 1)[..., None]
    hist = history_data[..., :C]                                     # [B, L, N, C]
    # ---- time series embedding (1x1 Conv2d over flattened L*C) ----
    x = hist.transpose(0, 2, 1, 3).reshape(B, N, L * C).transpose(0, 2, 1)  # [B, L*C, N]
    ts_emb = (jnp.einsum('bin,io->bon', x, Wts) + bts[None, :, None])[..., None]  # [B, EMBED, N, 1]
    hidden = jnp.concatenate([ts_emb, spatial_emb, temporal_d_emb, temporal_w_emb], axis=1)  # [B, 128, N, 1]
    # ---- static graph: softmax(relu(E_d @ E_u^T)) with top-k scatter mask ----
    sg = jax.nn.softmax(jax.nn.relu(node_emb_d @ node_emb_u.T), axis=1)  # [N, N]
    _vals, idxk = jax.lax.top_k(sg, TOPK)
    mask = jnp.zeros((N, N), jnp.float32).at[jnp.arange(N)[:, None], idxk].set(1.0)
    static_graph = sg * mask
    # ---- dynamic graph ----
    input_ge = hidden[..., 0].transpose(0, 2, 1)                     # [B, N, 128]
    filter1 = _mlp(input_ge, W1a, b1a, W1b, b1b, W1c, b1c)           # [B, N, 40]
    filter2 = _mlp(input_ge, W2a, b2a, W2b, b2b, W2c, b2c)
    nodevec1 = jnp.tanh(emb1_w[None] * filter1)                      # [B, N, 40]
    nodevec2 = jnp.tanh(emb2_w[None] * filter2)                      # computed but unused (faithful to source)
    a = jnp.einsum('bnd,bmd->bnm', nodevec1, nodevec1)               # [B, N, N]
    adj = jax.nn.relu(jnp.tanh(a))
    atop, _ = jax.lax.top_k(adj, TOPK)
    a_min = atop[..., -1:]                                           # k-th largest per row
    dynamic_graph = jnp.where(adj >= a_min, adj, jnp.zeros_like(adj))
    # ---- forecast layer (stand-in for undefined Net: static + dynamic graph propagation + linear head) ----
    h = hidden[..., 0]                                               # [B, 128, N]
    hs = jnp.einsum('mn,bcn->bcm', static_graph, h)
    hd = jnp.einsum('bmn,bcn->bcm', dynamic_graph, h)
    fused = jax.nn.relu(hs + hd + h)
    forecast_hidden = jnp.einsum('bcn,cl->bln', fused, W_fore) + b_fore[None, :, None]  # [B, SEQ_OUT, N]
    forecast = forecast_hidden.transpose(0, 2, 1)                    # [B, N, SEQ_OUT]
    return forecast

if __name__ == "__main__":
    import jax
    _d = setup_inputs()
    print(jax.jit(kernel)(*tuple(_d.values())))

</pallas_src>

<mosaic_0001>
#map = affine_map<(d0, d1) -> (0, 0)>
#map1 = affine_map<(d0, d1) -> (0)>
module attributes {stable_mosaic.version = 14 : i64} {
  func.func @_sc_gather_body(%arg0: i32, %arg1: i32, %arg2: memref<288x32xf32, #tpu.memory_space<hbm>>, %arg3: memref<8x32xf32, #tpu.memory_space<hbm>>, %arg4: memref<28672xi32, #tpu.memory_space<hbm>>, %arg5: memref<28672xi32, #tpu.memory_space<hbm>>, %arg6: memref<28672x32xf32, #tpu.memory_space<hbm>>, %arg7: memref<28672x32xf32, #tpu.memory_space<hbm>>, %arg8: memref<896xi32, #tpu.memory_space<vmem>>, %arg9: memref<896x32xf32, #tpu.memory_space<vmem>>, %arg10: memref<896xi32, #tpu.memory_space<vmem>>, %arg11: memref<896x32xf32, #tpu.memory_space<vmem>>, %arg12: memref<!tpu.dma_semaphore, #tpu.memory_space<semaphore_mem>>, %arg13: memref<!tpu.dma_semaphore, #tpu.memory_space<semaphore_mem>>) attributes {dimension_semantics = [#tpu.dimension_semantics<core_parallel>, #tpu.dimension_semantics<subcore_parallel>], iteration_bounds = array<i64: 2, 16>, scalar_prefetch = 0 : i64, scratch_operands = 6 : i64, tpu.core_type = #tpu.core_type<sc_vector_subcore>, window_params = [{transform_indices = #map}, {transform_indices = #map}, {transform_indices = #map1}, {transform_indices = #map1}, {transform_indices = #map}, {transform_indices = #map}]} {
    %mul3A = arith.constant 2 : i32
    %mul3A_0 = arith.muli %arg1, %mul3A : i32
    %add3A = arith.addi %mul3A_0, %arg0 : i32
    %mul3A_1 = arith.constant 896 : i32
    %mul3A_2 = arith.muli %add3A, %mul3A_1 : i32
    "tpu.region"() ({
      %run_scoped3A = tpu.sem_alloc : memref<!tpu.dma_semaphore, #tpu.memory_space<semaphore_mem>>
      %dma_start3A_13 = tpu.memref_slice %arg4[%mul3A_2] : memref<28672xi32, #tpu.memory_space<hbm>> -> memref<896xi32, #tpu.memory_space<hbm>>
      %dma_start3A_14 = tpu.memref_slice %arg4[%mul3A_2] : memref<28672xi32, #tpu.memory_space<hbm>> -> memref<896xi32, #tpu.memory_space<hbm>>
      tpu.enqueue_dma source(%dma_start3A_14 : memref<896xi32, #tpu.memory_space<hbm>>) target(%arg8 : memref<896xi32, #tpu.memory_space<vmem>>) target_semaphore(%run_scoped3A : memref<!tpu.dma_semaphore, #tpu.memory_space<semaphore_mem>>)
      %dma_wait3A_15 = tpu.memref_slice %arg4[%mul3A_2] : memref<28672xi32, #tpu.memory_space<hbm>> -> memref<896xi32, #tpu.memory_space<hbm>>
      %dma_wait3A_16 = tpu.memref_slice %arg4[%mul3A_2] : memref<28672xi32, #tpu.memory_space<hbm>> -> memref<896xi32, #tpu.memory_space<hbm>>
      tpu.wait_dma2 semaphore(%run_scoped3A : memref<!tpu.dma_semaphore, #tpu.memory_space<semaphore_mem>>) src(%dma_wait3A_16 : memref<896xi32, #tpu.memory_space<hbm>>) dst(%arg8 : memref<896xi32, #tpu.memory_space<vmem>>)
      tpu.yield
    }) : () -> ()
    "tpu.region"() ({
      %run_scoped3A = tpu.sem_alloc : memref<!tpu.dma_semaphore, #tpu.memory_space<semaphore_mem>>
      %dma_start3A_13 = tpu.memref_slice %arg5[%mul3A_2] : memref<28672xi32, #tpu.memory_space<hbm>> -> memref<896xi32, #tpu.memory_space<hbm>>
      %dma_start3A_14 = tpu.memref_slice %arg5[%mul3A_2] : memref<28672xi32, #tpu.memory_space<hbm>> -> memref<896xi32, #tpu.memory_space<hbm>>
      tpu.enqueue_dma source(%dma_start3A_14 : memref<896xi32, #tpu.memory_space<hbm>>) target(%arg10 : memref<896xi32, #tpu.memory_space<vmem>>) target_semaphore(%run_scoped3A : memref<!tpu.dma_semaphore, #tpu.memory_space<semaphore_mem>>)
      %dma_wait3A_15 = tpu.memref_slice %arg5[%mul3A_2] : memref<28672xi32, #tpu.memory_space<hbm>> -> memref<896xi32, #tpu.memory_space<hbm>>
      %dma_wait3A_16 = tpu.memref_slice %arg5[%mul3A_2] : memref<28672xi32, #tpu.memory_space<hbm>> -> memref<896xi32, #tpu.memory_space<hbm>>
      tpu.wait_dma2 semaphore(%run_scoped3A : memref<!tpu.dma_semaphore, #tpu.memory_space<semaphore_mem>>) src(%dma_wait3A_16 : memref<896xi32, #tpu.memory_space<hbm>>) dst(%arg10 : memref<896xi32, #tpu.memory_space<vmem>>)
      tpu.yield
    }) : () -> ()
    %dma_start3A = arith.constant 0 : i32
    %dma_start3A_3 = arith.constant 0 : i32
    %dma_start3A_4 = tpu.memref_slice %arg2[%dma_start3A, %dma_start3A_3] : memref<288x32xf32, #tpu.memory_space<hbm>> -> memref<288x32xf32, #tpu.memory_space<hbm>>
    tpu.enqueue_indirect_dma source(%dma_start3A_4 : memref<288x32xf32, #tpu.memory_space<hbm>>) target(%arg9 : memref<896x32xf32, #tpu.memory_space<vmem>>) offsets(%arg8 : memref<896xi32, #tpu.memory_space<vmem>>) semaphore(%arg12 : memref<!tpu.dma_semaphore, #tpu.memory_space<semaphore_mem>>)
    %dma_start3A_5 = arith.constant 0 : i32
    %dma_start3A_6 = arith.constant 0 : i32
    %dma_start3A_7 = tpu.memref_slice %arg3[%dma_start3A_5, %dma_start3A_6] : memref<8x32xf32, #tpu.memory_space<hbm>> -> memref<8x32xf32, #tpu.memory_space<hbm>>
    tpu.enqueue_indirect_dma source(%dma_start3A_7 : memref<8x32xf32, #tpu.memory_space<hbm>>) target(%arg11 : memref<896x32xf32, #tpu.memory_space<vmem>>) offsets(%arg10 : memref<896xi32, #tpu.memory_space<vmem>>) semaphore(%arg13 : memref<!tpu.dma_semaphore, #tpu.memory_space<semaphore_mem>>)
    %dma_wait3A = arith.constant 0 : i32
    %dma_wait3A_8 = arith.constant 0 : i32
    %dma_wait3A_9 = tpu.memref_slice %arg2[%dma_wait3A, %dma_wait3A_8] : memref<288x32xf32, #tpu.memory_space<hbm>> -> memref<288x32xf32, #tpu.memory_space<hbm>>
    tpu.wait_indirect_dma semaphore(%arg12 : memref<!tpu.dma_semaphore, #tpu.memory_space<semaphore_mem>>) src(%dma_wait3A_9 : memref<288x32xf32, #tpu.memory_space<hbm>>) dst(%arg9 : memref<896x32xf32, #tpu.memory_space<vmem>>)
    %dma_wait3A_10 = arith.constant 0 : i32
    %dma_wait3A_11 = arith.constant 0 : i32
    %dma_wait3A_12 = tpu.memref_slice %arg3[%dma_wait3A_10, %dma_wait3A_11] : memref<8x32xf32, #tpu.memory_space<hbm>> -> memref<8x32xf32, #tpu.memory_space<hbm>>
    tpu.wait_indirect_dma semaphore(%arg13 : memref<!tpu.dma_semaphore, #tpu.memory_space<semaphore_mem>>) src(%dma_wait3A_12 : memref<8x32xf32, #tpu.memory_space<hbm>>) dst(%arg11 : memref<896x32xf32, #tpu.memory_space<vmem>>)
    "tpu.region"() ({
      %run_scoped3A = tpu.sem_alloc : memref<!tpu.dma_semaphore, #tpu.memory_space<semaphore_mem>>
      %dma_start3A_13 = arith.constant 0 : i32
      %dma_start3A_14 = tpu.memref_slice %arg6[%mul3A_2, %dma_start3A_13] : memref<28672x32xf32, #tpu.memory_space<hbm>> -> memref<896x32xf32, #tpu.memory_space<hbm>>
      %dma_start3A_15 = arith.constant 0 : i32
      %dma_start3A_16 = tpu.memref_slice %arg6[%mul3A_2, %dma_start3A_15] : memref<28672x32xf32, #tpu.memory_space<hbm>> -> memref<896x32xf32, #tpu.memory_space<hbm>>
      tpu.enqueue_dma source(%arg9 : memref<896x32xf32, #tpu.memory_space<vmem>>) target(%dma_start3A_16 : memref<896x32xf32, #tpu.memory_space<hbm>>) target_semaphore(%run_scoped3A : memref<!tpu.dma_semaphore, #tpu.memory_space<semaphore_mem>>)
      %dma_wait3A_17 = arith.constant 0 : i32
      %dma_wait3A_18 = tpu.memref_slice %arg6[%mul3A_2, %dma_wait3A_17] : memref<28672x32xf32, #tpu.memory_space<hbm>> -> memref<896x32xf32, #tpu.memory_space<hbm>>
      %dma_wait3A_19 = arith.constant 0 : i32
      %dma_wait3A_20 = tpu.memref_slice %arg6[%mul3A_2, %dma_wait3A_19] : memref<28672x32xf32, #tpu.memory_space<hbm>> -> memref<896x32xf32, #tpu.memory_space<hbm>>
      tpu.wait_dma2 semaphore(%run_scoped3A : memref<!tpu.dma_semaphore, #tpu.memory_space<semaphore_mem>>) src(%arg9 : memref<896x32xf32, #tpu.memory_space<vmem>>) dst(%dma_wait3A_20 : memref<896x32xf32, #tpu.memory_space<hbm>>)
      tpu.yield
    }) : () -> ()
    "tpu.region"() ({
      %run_scoped3A = tpu.sem_alloc : memref<!tpu.dma_semaphore, #tpu.memory_space<semaphore_mem>>
      %dma_start3A_13 = arith.constant 0 : i32
      %dma_start3A_14 = tpu.memref_slice %arg7[%mul3A_2, %dma_start3A_13] : memref<28672x32xf32, #tpu.memory_space<hbm>> -> memref<896x32xf32, #tpu.memory_space<hbm>>
      %dma_start3A_15 = arith.constant 0 : i32
      %dma_start3A_16 = tpu.memref_slice %arg7[%mul3A_2, %dma_start3A_15] : memref<28672x32xf32, #tpu.memory_space<hbm>> -> memref<896x32xf32, #tpu.memory_space<hbm>>
      tpu.enqueue_dma source(%arg11 : memref<896x32xf32, #tpu.memory_space<vmem>>) target(%dma_start3A_16 : memref<896x32xf32, #tpu.memory_space<hbm>>) target_semaphore(%run_scoped3A : memref<!tpu.dma_semaphore, #tpu.memory_space<semaphore_mem>>)
      %dma_wait3A_17 = arith.constant 0 : i32
      %dma_wait3A_18 = tpu.memref_slice %arg7[%mul3A_2, %dma_wait3A_17] : memref<28672x32xf32, #tpu.memory_space<hbm>> -> memref<896x32xf32, #tpu.memory_space<hbm>>
      %dma_wait3A_19 = arith.constant 0 : i32
      %dma_wait3A_20 = tpu.memref_slice %arg7[%mul3A_2, %dma_wait3A_19] : memref<28672x32xf32, #tpu.memory_space<hbm>> -> memref<896x32xf32, #tpu.memory_space<hbm>>
      tpu.wait_dma2 semaphore(%run_scoped3A : memref<!tpu.dma_semaphore, #tpu.memory_space<semaphore_mem>>) src(%arg11 : memref<896x32xf32, #tpu.memory_space<vmem>>) dst(%dma_wait3A_20 : memref<896x32xf32, #tpu.memory_space<hbm>>)
      tpu.yield
    }) : () -> ()
    return
  }
}

module attributes {stable_mosaic.version = 14 : i64} {
  func.func @_static_body(%arg0: i32, %arg1: memref<448x32xf32, #tpu.memory_space<vmem>>, %arg2: memref<896x32xf32, #tpu.memory_space<vmem>>, %arg3: memref<448x896xf32, #tpu.memory_space<vmem>>) attributes {dimension_semantics = [#tpu.dimension_semantics<arbitrary>], iteration_bounds = array<i64: 2>, scalar_prefetch = 0 : i64, scratch_operands = 0 : i64, tpu.core_type = #tpu.core_type<tc>, window_params = [{transform_indices = @transform_0, window_bounds = array<i64: 448, 32>}, {pipeline_mode = #tpu.pipeline_mode<synchronous>, transform_indices = @transform_1, window_bounds = array<i64: 896, 32>}, {transform_indices = @transform_2, window_bounds = array<i64: 448, 896>}]} {
    %get3A = arith.constant 0 : index
    %get3A_0 = arith.constant 0 : index
    %get3A_1 = vector.load %arg1[%get3A, %get3A_0] : memref<448x32xf32, #tpu.memory_space<vmem>>, vector<448x32xf32>
    %get3A_2 = arith.constant 0 : index
    %get3A_3 = arith.constant 0 : index
    %get3A_4 = vector.load %arg2[%get3A_2, %get3A_3] : memref<896x32xf32, #tpu.memory_space<vmem>>, vector<896x32xf32>
    %dot_general3A = arith.constant dense<0.000000e+00> : vector<448x896xf32>
    %dot_general3A_5 = tpu.matmul %get3A_1, %get3A_4, %dot_general3A {dimension_numbers = #tpu.dot_dimension_numbers<[1], [1], [0], [0], [0, 0, 1, 0], [], []>, precision = #tpu.contract_precision<fp32>, transpose_lhs_hint = false} : vector<448x32xf32>, vector<896x32xf32>, vector<448x896xf32> -> vector<448x896xf32>
    %max3A = arith.constant 0.000000e+00 : f32
    %max3A_6 = vector.broadcast %max3A : f32 to vector<448x896xf32>
    %max3A_7 = arith.maximumf %dot_general3A_5, %max3A_6 : vector<448x896xf32>
    %iota3A = tpu.iota {dimensions = array<i32: 1>} : vector<448x896xi32>
    %lt3A = arith.constant 883 : i32
    %lt3A_8 = vector.broadcast %lt3A : i32 to vector<448x896xi32>
    %lt3A_9 = arith.cmpi slt, %iota3A, %lt3A_8 : vector<448x896xi32>
    %jit3A = arith.constant 0xFF800000 : f32
    %broadcast_in_dim3A = vector.broadcast %jit3A : f32 to vector<448x896xf32>
    %select_n3A = arith.select %lt3A_9, %max3A_7, %broadcast_in_dim3A : vector<448x896xi1>, vector<448x896xf32>
    %reduce_max3A = arith.constant dense<0xFF800000> : vector<448xf32>
    %reduce_max3A_10 = vector.multi_reduction <maximumf>, %select_n3A, %reduce_max3A [1] : vector<448x896xf32> to vector<448xf32>
    %broadcast_in_dim3A_11 = vector.shape_cast %reduce_max3A_10 : vector<448xf32> to vector<448x1xf32>
    %sub3A = vector.broadcast %broadcast_in_dim3A_11 : vector<448x1xf32> to vector<448x896xf32>
    %sub3A_12 = arith.subf %select_n3A, %sub3A : vector<448x896xf32>
    %exp3A = math.exp %sub3A_12 : vector<448x896xf32>
    %jit3A_13 = arith.constant 0.000000e+00 : f32
    %broadcast_in_dim3A_14 = vector.broadcast %jit3A_13 : f32 to vector<448x896xf32>
    %select_n3A_15 = arith.select %lt3A_9, %exp3A, %broadcast_in_dim3A_14 : vector<448x896xi1>, vector<448x896xf32>
    %reduce_sum3A = arith.constant dense<0.000000e+00> : vector<448xf32>
    %reduce_sum3A_16 = vector.multi_reduction <add>, %select_n3A_15, %reduce_sum3A [1] : vector<448x896xf32> to vector<448xf32>
    %broadcast_in_dim3A_17 = vector.shape_cast %reduce_sum3A_16 : vector<448xf32> to vector<448x1xf32>
    %div3A = vector.broadcast %broadcast_in_dim3A_17 : vector<448x1xf32> to vector<448x896xf32>
    %div3A_18 = arith.divf %select_n3A_15, %div3A : vector<448x896xf32>
    %bitcast_convert_type3A = tpu.bitcast %div3A_18 : vector<448x896xf32> -> vector<448x896xi32>
    %and3A = arith.constant -65536 : i32
    %and3A_19 = vector.broadcast %and3A : i32 to vector<448x896xi32>
    %and3A_20 = arith.andi %bitcast_convert_type3A, %and3A_19 : vector<448x896xi32>
    %bitcast_convert_type3A_21 = tpu.bitcast %and3A_20 : vector<448x896xi32> -> vector<448x896xf32>
    %convert_element_type3A = arith.truncf %bitcast_convert_type3A_21 : vector<448x896xf32> to vector<448x896xbf16>
    %broadcast_in_dim3A_22 = arith.constant 0 : i32
    %broadcast_in_dim3A_23 = vector.broadcast %broadcast_in_dim3A_22 : i32 to vector<448x1xi32>
    %broadcast_in_dim3A_24 = arith.constant 16257 : i32
    %broadcast_in_dim3A_25 = vector.broadcast %broadcast_in_dim3A_24 : i32 to vector<448x1xi32>
    %broadcast_in_dim3A_26 = arith.constant 0.000000e+00 : f32
    %broadcast_in_dim3A_27 = vector.broadcast %broadcast_in_dim3A_26 : f32 to vector<448x1xf32>
    %add3A = arith.addi %broadcast_in_dim3A_23, %broadcast_in_dim3A_25 : vector<448x1xi32>
    %shift_right_arithmetic3A = arith.constant 1 : i32
    %shift_right_arithmetic3A_28 = vector.broadcast %shift_right_arithmetic3A : i32 to vector<448x1xi32>
    %shift_right_arithmetic3A_29 = arith.shrsi %add3A, %shift_right_arithmetic3A_28 : vector<448x1xi32>
    %shift_left3A = arith.constant 16 : i32
    %shift_left3A_30 = vector.broadcast %shift_left3A : i32 to vector<448x1xi32>
    %shift_left3A_31 = arith.shli %shift_right_arithmetic3A_29, %shift_left3A_30 : vector<448x1xi32>
    %bitcast_convert_type3A_32 = tpu.bitcast %shift_left3A_31 : vector<448x1xi32> -> vector<448x1xf32>
    %convert_element_type3A_33 = arith.truncf %bitcast_convert_type3A_32 : vector<448x1xf32> to vector<448x1xbf16>
    %ge3A = vector.broadcast %convert_element_type3A_33 : vector<448x1xbf16> to vector<448x896xbf16>
    %ge3A_34 = arith.cmpf oge, %convert_element_type3A, %ge3A : vector<448x896xbf16>
    %convert_element_type3A_35 = arith.extui %ge3A_34 : vector<448x896xi1> to vector<448x896xi32>
    %convert_element_type3A_36 = arith.sitofp %convert_element_type3A_35 : vector<448x896xi32> to vector<448x896xf32>
    %reduce_sum3A_37 = arith.constant dense<0.000000e+00> : vector<448xf32>
    %reduce_sum3A_38 = vector.multi_reduction <add>, %convert_element_type3A_36, %reduce_sum3A_37 [1] : vector<448x896xf32> to vector<448xf32>
    %broadcast_in_dim3A_39 = vector.shape_cast %reduce_sum3A_38 : vector<448xf32> to vector<448x1xf32>
    %ge3A_40 = arith.constant 2.000000e+01 : f32
    %ge3A_41 = vector.broadcast %ge3A_40 : f32 to vector<448x1xf32>
    %ge3A_42 = arith.cmpf oge, %broadcast_in_dim3A_39, %ge3A_41 : vector<448x1xf32>
    %select_n3A_43 = arith.select %ge3A_42, %shift_right_arithmetic3A_29, %broadcast_in_dim3A_23 : vector<448x1xi1>, vector<448x1xi32>
    %select_n3A_44 = arith.select %ge3A_42, %broadcast_in_dim3A_25, %shift_right_arithmetic3A_29 : vector<448x1xi1>, vector<448x1xi32>
    %select_n3A_45 = arith.select %ge3A_42, %broadcast_in_dim3A_27, %broadcast_in_dim3A_39 : vector<448x1xi1>, vector<448x1xf32>
    %add3A_46 = arith.addi %select_n3A_43, %select_n3A_44 : vector<448x1xi32>
    %shift_right_arithmetic3A_47 = arith.constant 1 : i32
    %shift_right_arithmetic3A_48 = vector.broadcast %shift_right_arithmetic3A_47 : i32 to vector<448x1xi32>
    %shift_right_arithmetic3A_49 = arith.shrsi %add3A_46, %shift_right_arithmetic3A_48 : vector<448x1xi32>
    %shift_left3A_50 = arith.constant 16 : i32
    %shift_left3A_51 = vector.broadcast %shift_left3A_50 : i32 to vector<448x1xi32>
    %shift_left3A_52 = arith.shli %shift_right_arithmetic3A_49, %shift_left3A_51 : vector<448x1xi32>
    %bitcast_convert_type3A_53 = tpu.bitcast %shift_left3A_52 : vector<448x1xi32> -> vector<448x1xf32>
    %convert_element_type3A_54 = arith.truncf %bitcast_convert_type3A_53 : vector<448x1xf32> to vector<448x1xbf16>
    %ge3A_55 = vector.broadcast %convert_element_type3A_54 : vector<448x1xbf16> to vector<448x896xbf16>
    %ge3A_56 = arith.cmpf oge, %convert_element_type3A, %ge3A_55 : vector<448x896xbf16>
    %convert_element_type3A_57 = arith.extui %ge3A_56 : vector<448x896xi1> to vector<448x896xi32>
    %convert_element_type3A_58 = arith.sitofp %convert_element_type3A_57 : vector<448x896xi32> to vector<448x896xf32>
    %reduce_sum3A_59 = arith.constant dense<0.000000e+00> : vector<448xf32>
    %reduce_sum3A_60 = vector.multi_reduction <add>, %convert_element_type3A_58, %reduce_sum3A_59 [1] : vector<448x896xf32> to vector<448xf32>
    %broadcast_in_dim3A_61 = vector.shape_cast %reduce_sum3A_60 : vector<448xf32> to vector<448x1xf32>
    %ge3A_62 = arith.constant 2.000000e+01 : f32
    %ge3A_63 = vector.broadcast %ge3A_62 : f32 to vector<448x1xf32>
    %ge3A_64 = arith.cmpf oge, %broadcast_in_dim3A_61, %ge3A_63 : vector<448x1xf32>
    %select_n3A_65 = arith.select %ge3A_64, %shift_right_arithmetic3A_49, %select_n3A_43 : vector<448x1xi1>, vector<448x1xi32>
    %select_n3A_66 = arith.select %ge3A_64, %select_n3A_44, %shift_right_arithmetic3A_49 : vector<448x1xi1>, vector<448x1xi32>
    %select_n3A_67 = arith.select %ge3A_64, %select_n3A_45, %broadcast_in_dim3A_61 : vector<448x1xi1>, vector<448x1xf32>
    %add3A_68 = arith.addi %select_n3A_65, %select_n3A_66 : vector<448x1xi32>
    %shift_right_arithmetic3A_69 = arith.constant 1 : i32
    %shift_right_arithmetic3A_70 = vector.broadcast %shift_right_arithmetic3A_69 : i32 to vector<448x1xi32>
    %shift_right_arithmetic3A_71 = arith.shrsi %add3A_68, %shift_right_arithmetic3A_70 : vector<448x1xi32>
    %shift_left3A_72 = arith.constant 16 : i32
    %shift_left3A_73 = vector.broadcast %shift_left3A_72 : i32 to vector<448x1xi32>
    %shift_left3A_74 = arith.shli %shift_right_arithmetic3A_71, %shift_left3A_73 : vector<448x1xi32>
    %bitcast_convert_type3A_75 = tpu.bitcast %shift_left3A_74 : vector<448x1xi32> -> vector<448x1xf32>
    %convert_element_type3A_76 = arith.truncf %bitcast_convert_type3A_75 : vector<448x1xf32> to vector<448x1xbf16>
    %ge3A_77 = vector.broadcast %convert_element_type3A_76 : vector<448x1xbf16> to vector<448x896xbf16>
    %ge3A_78 = arith.cmpf oge, %convert_element_type3A, %ge3A_77 : vector<448x896xbf16>
    %convert_element_type3A_79 = arith.extui %ge3A_78 : vector<448x896xi1> to vector<448x896xi32>
    %convert_element_type3A_80 = arith.sitofp %convert_element_type3A_79 : vector<448x896xi32> to vector<448x896xf32>
    %reduce_sum3A_81 = arith.constant dense<0.000000e+00> : vector<448xf32>
    %reduce_sum3A_82 = vector.multi_reduction <add>, %convert_element_type3A_80, %reduce_sum3A_81 [1] : vector<448x896xf32> to vector<448xf32>
    %broadcast_in_dim3A_83 = vector.shape_cast %reduce_sum3A_82 : vector<448xf32> to vector<448x1xf32>
    %ge3A_84 = arith.constant 2.000000e+01 : f32
    %ge3A_85 = vector.broadcast %ge3A_84 : f32 to vector<448x1xf32>
    %ge3A_86 = arith.cmpf oge, %broadcast_in_dim3A_83, %ge3A_85 : vector<448x1xf32>
    %select_n3A_87 = arith.select %ge3A_86, %shift_right_arithmetic3A_71, %select_n3A_65 : vector<448x1xi1>, vector<448x1xi32>
    %select_n3A_88 = arith.select %ge3A_86, %select_n3A_66, %shift_right_arithmetic3A_71 : vector<448x1xi1>, vector<448x1xi32>
    %select_n3A_89 = arith.select %ge3A_86, %select_n3A_67, %broadcast_in_dim3A_83 : vector<448x1xi1>, vector<448x1xf32>
    %add3A_90 = arith.addi %select_n3A_87, %select_n3A_88 : vector<448x1xi32>
    %shift_right_arithmetic3A_91 = arith.constant 1 : i32
    %shift_right_arithmetic3A_92 = vector.broadcast %shift_right_arithmetic3A_91 : i32 to vector<448x1xi32>
    %shift_right_arithmetic3A_93 = arith.shrsi %add3A_90, %shift_right_arithmetic3A_92 : vector<448x1xi32>
    %shift_left3A_94 = arith.constant 16 : i32
    %shift_left3A_95 = vector.broadcast %shift_left3A_94 : i32 to vector<448x1xi32>
    %shift_left3A_96 = arith.shli %shift_right_arithmetic3A_93, %shift_left3A_95 : vector<448x1xi32>
    %bitcast_convert_type3A_97 = tpu.bitcast %shift_left3A_96 : vector<448x1xi32> -> vector<448x1xf32>
    %convert_element_type3A_98 = arith.truncf %bitcast_convert_type3A_97 : vector<448x1xf32> to vector<448x1xbf16>
    %ge3A_99 = vector.broadcast %convert_element_type3A_98 : vector<448x1xbf16> to vector<448x896xbf16>
    %ge3A_100 = arith.cmpf oge, %convert_element_type3A, %ge3A_99 : vector<448x896xbf16>
    %convert_element_type3A_101 = arith.extui %ge3A_100 : vector<448x896xi1> to vector<448x896xi32>
    %convert_element_type3A_102 = arith.sitofp %convert_element_type3A_101 : vector<448x896xi32> to vector<448x896xf32>
    %reduce_sum3A_103 = arith.constant dense<0.000000e+00> : vector<448xf32>
    %reduce_sum3A_104 = vector.multi_reduction <add>, %convert_element_type3A_102, %reduce_sum3A_103 [1] : vector<448x896xf32> to vector<448xf32>
    %broadcast_in_dim3A_105 = vector.shape_cast %reduce_sum3A_104 : vector<448xf32> to vector<448x1xf32>
    %ge3A_106 = arith.constant 2.000000e+01 : f32
    %ge3A_107 = vector.broadcast %ge3A_106 : f32 to vector<448x1xf32>
    %ge3A_108 = arith.cmpf oge, %broadcast_in_dim3A_105, %ge3A_107 : vector<448x1xf32>
    %select_n3A_109 = arith.select %ge3A_108, %shift_right_arithmetic3A_93, %select_n3A_87 : vector<448x1xi1>, vector<448x1xi32>
    %select_n3A_110 = arith.select %ge3A_108, %select_n3A_88, %shift_right_arithmetic3A_93 : vector<448x1xi1>, vector<448x1xi32>
    %select_n3A_111 = arith.select %ge3A_108, %select_n3A_89, %broadcast_in_dim3A_105 : vector<448x1xi1>, vector<448x1xf32>
    %add3A_112 = arith.addi %select_n3A_109, %select_n3A_110 : vector<448x1xi32>
    %shift_right_arithmetic3A_113 = arith.constant 1 : i32
    %shift_right_arithmetic3A_114 = vector.broadcast %shift_right_arithmetic3A_113 : i32 to vector<448x1xi32>
    %shift_right_arithmetic3A_115 = arith.shrsi %add3A_112, %shift_right_arithmetic3A_114 : vector<448x1xi32>
    %shift_left3A_116 = arith.constant 16 : i32
    %shift_left3A_117 = vector.broadcast %shift_left3A_116 : i32 to vector<448x1xi32>
    %shift_left3A_118 = arith.shli %shift_right_arithmetic3A_115, %shift_left3A_117 : vector<448x1xi32>
    %bitcast_convert_type3A_119 = tpu.bitcast %shift_left3A_118 : vector<448x1xi32> -> vector<448x1xf32>
    %convert_element_type3A_120 = arith.truncf %bitcast_convert_type3A_119 : vector<448x1xf32> to vector<448x1xbf16>
    %ge3A_121 = vector.broadcast %convert_element_type3A_120 : vector<448x1xbf16> to vector<448x896xbf16>
    %ge3A_122 = arith.cmpf oge, %convert_element_type3A, %ge3A_121 : vector<448x896xbf16>
    %convert_element_type3A_123 = arith.extui %ge3A_122 : vector<448x896xi1> to vector<448x896xi32>
    %convert_element_type3A_124 = arith.sitofp %convert_element_type3A_123 : vector<448x896xi32> to vector<448x896xf32>
    %reduce_sum3A_125 = arith.constant dense<0.000000e+00> : vector<448xf32>
    %reduce_sum3A_126 = vector.multi_reduction <add>, %convert_element_type3A_124, %reduce_sum3A_125 [1] : vector<448x896xf32> to vector<448xf32>
    %broadcast_in_dim3A_127 = vector.shape_cast %reduce_sum3A_126 : vector<448xf32> to vector<448x1xf32>
    %ge3A_128 = arith.constant 2.000000e+01 : f32
    %ge3A_129 = vector.broadcast %ge3A_128 : f32 to vector<448x1xf32>
    %ge3A_130 = arith.cmpf oge, %broadcast_in_dim3A_127, %ge3A_129 : vector<448x1xf32>
    %select_n3A_131 = arith.select %ge3A_130, %shift_right_arithmetic3A_115, %select_n3A_109 : vector<448x1xi1>, vector<448x1xi32>
    %select_n3A_132 = arith.select %ge3A_130, %select_n3A_110, %shift_right_arithmetic3A_115 : vector<448x1xi1>, vector<448x1xi32>
    %select_n3A_133 = arith.select %ge3A_130, %select_n3A_111, %broadcast_in_dim3A_127 : vector<448x1xi1>, vector<448x1xf32>
    %add3A_134 = arith.addi %select_n3A_131, %select_n3A_132 : vector<448x1xi32>
    %shift_right_arithmetic3A_135 = arith.constant 1 : i32
    %shift_right_arithmetic3A_136 = vector.broadcast %shift_right_arithmetic3A_135 : i32 to vector<448x1xi32>
    %shift_right_arithmetic3A_137 = arith.shrsi %add3A_134, %shift_right_arithmetic3A_136 : vector<448x1xi32>
    %shift_left3A_138 = arith.constant 16 : i32
    %shift_left3A_139 = vector.broadcast %shift_left3A_138 : i32 to vector<448x1xi32>
    %shift_left3A_140 = arith.shli %shift_right_arithmetic3A_137, %shift_left3A_139 : vector<448x1xi32>
    %bitcast_convert_type3A_141 = tpu.bitcast %shift_left3A_140 : vector<448x1xi32> -> vector<448x1xf32>
    %convert_element_type3A_142 = arith.truncf %bitcast_convert_type3A_141 : vector<448x1xf32> to vector<448x1xbf16>
    %ge3A_143 = vector.broadcast %convert_element_type3A_142 : vector<448x1xbf16> to vector<448x896xbf16>
    %ge3A_144 = arith.cmpf oge, %convert_element_type3A, %ge3A_143 : vector<448x896xbf16>
    %convert_element_type3A_145 = arith.extui %ge3A_144 : vector<448x896xi1> to vector<448x896xi32>
    %convert_element_type3A_146 = arith.sitofp %convert_element_type3A_145 : vector<448x896xi32> to vector<448x896xf32>
    %reduce_sum3A_147 = arith.constant dense<0.000000e+00> : vector<448xf32>
    %reduce_sum3A_148 = vector.multi_reduction <add>, %convert_element_type3A_146, %reduce_sum3A_147 [1] : vector<448x896xf32> to vector<448xf32>
    %broadcast_in_dim3A_149 = vector.shape_cast %reduce_sum3A_148 : vector<448xf32> to vector<448x1xf32>
    %ge3A_150 = arith.constant 2.000000e+01 : f32
    %ge3A_151 = vector.broadcast %ge3A_150 : f32 to vector<448x1xf32>
    %ge3A_152 = arith.cmpf oge, %broadcast_in_dim3A_149, %ge3A_151 : vector<448x1xf32>
    %select_n3A_153 = arith.select %ge3A_152, %shift_right_arithmetic3A_137, %select_n3A_131 : vector<448x1xi1>, vector<448x1xi32>
    %select_n3A_154 = arith.select %ge3A_152, %select_n3A_132, %shift_right_arithmetic3A_137 : vector<448x1xi1>, vector<448x1xi32>
    %select_n3A_155 = arith.select %ge3A_152, %select_n3A_133, %broadcast_in_dim3A_149 : vector<448x1xi1>, vector<448x1xf32>
    %add3A_156 = arith.addi %select_n3A_153, %select_n3A_154 : vector<448x1xi32>
    %shift_right_arithmetic3A_157 = arith.constant 1 : i32
    %shift_right_arithmetic3A_158 = vector.broadcast %shift_right_arithmetic3A_157 : i32 to vector<448x1xi32>
    %shift_right_arithmetic3A_159 = arith.shrsi %add3A_156, %shift_right_arithmetic3A_158 : vector<448x1xi32>
    %shift_left3A_160 = arith.constant 16 : i32
    %shift_left3A_161 = vector.broadcast %shift_left3A_160 : i32 to vector<448x1xi32>
    %shift_left3A_162 = arith.shli %shift_right_arithmetic3A_159, %shift_left3A_161 : vector<448x1xi32>
    %bitcast_convert_type3A_163 = tpu.bitcast %shift_left3A_162 : vector<448x1xi32> -> vector<448x1xf32>
    %convert_element_type3A_164 = arith.truncf %bitcast_convert_type3A_163 : vector<448x1xf32> to vector<448x1xbf16>
    %ge3A_165 = vector.broadcast %convert_element_type3A_164 : vector<448x1xbf16> to vector<448x896xbf16>
    %ge3A_166 = arith.cmpf oge, %convert_element_type3A, %ge3A_165 : vector<448x896xbf16>
    %convert_element_type3A_167 = arith.extui %ge3A_166 : vector<448x896xi1> to vector<448x896xi32>
    %convert_element_type3A_168 = arith.sitofp %convert_element_type3A_167 : vector<448x896xi32> to vector<448x896xf32>
    %reduce_sum3A_169 = arith.constant dense<0.000000e+00> : vector<448xf32>
    %reduce_sum3A_170 = vector.multi_reduction <add>, %convert_element_type3A_168, %reduce_sum3A_169 [1] : vector<448x896xf32> to vector<448xf32>
    %broadcast_in_dim3A_171 = vector.shape_cast %reduce_sum3A_170 : vector<448xf32> to vector<448x1xf32>
    %ge3A_172 = arith.constant 2.000000e+01 : f32
    %ge3A_173 = vector.broadcast %ge3A_172 : f32 to vector<448x1xf32>
    %ge3A_174 = arith.cmpf oge, %broadcast_in_dim3A_171, %ge3A_173 : vector<448x1xf32>
    %select_n3A_175 = arith.select %ge3A_174, %shift_right_arithmetic3A_159, %select_n3A_153 : vector<448x1xi1>, vector<448x1xi32>
    %select_n3A_176 = arith.select %ge3A_174, %select_n3A_154, %shift_right_arithmetic3A_159 : vector<448x1xi1>, vector<448x1xi32>
    %select_n3A_177 = arith.select %ge3A_174, %select_n3A_155, %broadcast_in_dim3A_171 : vector<448x1xi1>, vector<448x1xf32>
    %add3A_178 = arith.addi %select_n3A_175, %select_n3A_176 : vector<448x1xi32>
    %shift_right_arithmetic3A_179 = arith.constant 1 : i32
    %shift_right_arithmetic3A_180 = vector.broadcast %shift_right_arithmetic3A_179 : i32 to vector<448x1xi32>
    %shift_right_arithmetic3A_181 = arith.shrsi %add3A_178, %shift_right_arithmetic3A_180 : vector<448x1xi32>
    %shift_left3A_182 = arith.constant 16 : i32
    %shift_left3A_183 = vector.broadcast %shift_left3A_182 : i32 to vector<448x1xi32>
    %shift_left3A_184 = arith.shli %shift_right_arithmetic3A_181, %shift_left3A_183 : vector<448x1xi32>
    %bitcast_convert_type3A_185 = tpu.bitcast %shift_left3A_184 : vector<448x1xi32> -> vector<448x1xf32>
    %convert_element_type3A_186 = arith.truncf %bitcast_convert_type3A_185 : vector<448x1xf32> to vector<448x1xbf16>
    %ge3A_187 = vector.broadcast %convert_element_type3A_186 : vector<448x1xbf16> to vector<448x896xbf16>
    %ge3A_188 = arith.cmpf oge, %convert_element_type3A, %ge3A_187 : vector<448x896xbf16>
    %convert_element_type3A_189 = arith.extui %ge3A_188 : vector<448x896xi1> to vector<448x896xi32>
    %convert_element_type3A_190 = arith.sitofp %convert_element_type3A_189 : vector<448x896xi32> to vector<448x896xf32>
    %reduce_sum3A_191 = arith.constant dense<0.000000e+00> : vector<448xf32>
    %reduce_sum3A_192 = vector.multi_reduction <add>, %convert_element_type3A_190, %reduce_sum3A_191 [1] : vector<448x896xf32> to vector<448xf32>
    %broadcast_in_dim3A_193 = vector.shape_cast %reduce_sum3A_192 : vector<448xf32> to vector<448x1xf32>
    %ge3A_194 = arith.constant 2.000000e+01 : f32
    %ge3A_195 = vector.broadcast %ge3A_194 : f32 to vector<448x1xf32>
    %ge3A_196 = arith.cmpf oge, %broadcast_in_dim3A_193, %ge3A_195 : vector<448x1xf32>
    %select_n3A_197 = arith.select %ge3A_196, %shift_right_arithmetic3A_181, %select_n3A_175 : vector<448x1xi1>, vector<448x1xi32>
    %select_n3A_198 = arith.select %ge3A_196, %select_n3A_176, %shift_right_arithmetic3A_181 : vector<448x1xi1>, vector<448x1xi32>
    %select_n3A_199 = arith.select %ge3A_196, %select_n3A_177, %broadcast_in_dim3A_193 : vector<448x1xi1>, vector<448x1xf32>
    %add3A_200 = arith.addi %select_n3A_197, %select_n3A_198 : vector<448x1xi32>
    %shift_right_arithmetic3A_201 = arith.constant 1 : i32
    %shift_right_arithmetic3A_202 = vector.broadcast %shift_right_arithmetic3A_201 : i32 to vector<448x1xi32>
    %shift_right_arithmetic3A_203 = arith.shrsi %add3A_200, %shift_right_arithmetic3A_202 : vector<448x1xi32>
    %shift_left3A_204 = arith.constant 16 : i32
    %shift_left3A_205 = vector.broadcast %shift_left3A_204 : i32 to vector<448x1xi32>
    %shift_left3A_206 = arith.shli %shift_right_arithmetic3A_203, %shift_left3A_205 : vector<448x1xi32>
    %bitcast_convert_type3A_207 = tpu.bitcast %shift_left3A_206 : vector<448x1xi32> -> vector<448x1xf32>
    %convert_element_type3A_208 = arith.truncf %bitcast_convert_type3A_207 : vector<448x1xf32> to vector<448x1xbf16>
    %ge3A_209 = vector.broadcast %convert_element_type3A_208 : vector<448x1xbf16> to vector<448x896xbf16>
    %ge3A_210 = arith.cmpf oge, %convert_element_type3A, %ge3A_209 : vector<448x896xbf16>
    %convert_element_type3A_211 = arith.extui %ge3A_210 : vector<448x896xi1> to vector<448x896xi32>
    %convert_element_type3A_212 = arith.sitofp %convert_element_type3A_211 : vector<448x896xi32> to vector<448x896xf32>
    %reduce_sum3A_213 = arith.constant dense<0.000000e+00> : vector<448xf32>
    %reduce_sum3A_214 = vector.multi_reduction <add>, %convert_element_type3A_212, %reduce_sum3A_213 [1] : vector<448x896xf32> to vector<448xf32>
    %broadcast_in_dim3A_215 = vector.shape_cast %reduce_sum3A_214 : vector<448xf32> to vector<448x1xf32>
    %ge3A_216 = arith.constant 2.000000e+01 : f32
    %ge3A_217 = vector.broadcast %ge3A_216 : f32 to vector<448x1xf32>
    %ge3A_218 = arith.cmpf oge, %broadcast_in_dim3A_215, %ge3A_217 : vector<448x1xf32>
    %select_n3A_219 = arith.select %ge3A_218, %shift_right_arithmetic3A_203, %select_n3A_197 : vector<448x1xi1>, vector<448x1xi32>
    %select_n3A_220 = arith.select %ge3A_218, %select_n3A_198, %shift_right_arithmetic3A_203 : vector<448x1xi1>, vector<448x1xi32>
    %select_n3A_221 = arith.select %ge3A_218, %select_n3A_199, %broadcast_in_dim3A_215 : vector<448x1xi1>, vector<448x1xf32>
    %add3A_222 = arith.addi %select_n3A_219, %select_n3A_220 : vector<448x1xi32>
    %shift_right_arithmetic3A_223 = arith.constant 1 : i32
    %shift_right_arithmetic3A_224 = vector.broadcast %shift_right_arithmetic3A_223 : i32 to vector<448x1xi32>
    %shift_right_arithmetic3A_225 = arith.shrsi %add3A_222, %shift_right_arithmetic3A_224 : vector<448x1xi32>
    %shift_left3A_226 = arith.constant 16 : i32
    %shift_left3A_227 = vector.broadcast %shift_left3A_226 : i32 to vector<448x1xi32>
    %shift_left3A_228 = arith.shli %shift_right_arithmetic3A_225, %shift_left3A_227 : vector<448x1xi32>
    %bitcast_convert_type3A_229 = tpu.bitcast %shift_left3A_228 : vector<448x1xi32> -> vector<448x1xf32>
    %convert_element_type3A_230 = arith.truncf %bitcast_convert_type3A_229 : vector<448x1xf32> to vector<448x1xbf16>
    %ge3A_231 = vector.broadcast %convert_element_type3A_230 : vector<448x1xbf16> to vector<448x896xbf16>
    %ge3A_232 = arith.cmpf oge, %convert_element_type3A, %ge3A_231 : vector<448x896xbf16>
    %convert_element_type3A_233 = arith.extui %ge3A_232 : vector<448x896xi1> to vector<448x896xi32>
    %convert_element_type3A_234 = arith.sitofp %convert_element_type3A_233 : vector<448x896xi32> to vector<448x896xf32>
    %reduce_sum3A_235 = arith.constant dense<0.000000e+00> : vector<448xf32>
    %reduce_sum3A_236 = vector.multi_reduction <add>, %convert_element_type3A_234, %reduce_sum3A_235 [1] : vector<448x896xf32> to vector<448xf32>
    %broadcast_in_dim3A_237 = vector.shape_cast %reduce_sum3A_236 : vector<448xf32> to vector<448x1xf32>
    %ge3A_238 = arith.constant 2.000000e+01 : f32
    %ge3A_239 = vector.broadcast %ge3A_238 : f32 to vector<448x1xf32>
    %ge3A_240 = arith.cmpf oge, %broadcast_in_dim3A_237, %ge3A_239 : vector<448x1xf32>
    %select_n3A_241 = arith.select %ge3A_240, %shift_right_arithmetic3A_225, %select_n3A_219 : vector<448x1xi1>, vector<448x1xi32>
    %select_n3A_242 = arith.select %ge3A_240, %select_n3A_220, %shift_right_arithmetic3A_225 : vector<448x1xi1>, vector<448x1xi32>
    %select_n3A_243 = arith.select %ge3A_240, %select_n3A_221, %broadcast_in_dim3A_237 : vector<448x1xi1>, vector<448x1xf32>
    %add3A_244 = arith.addi %select_n3A_241, %select_n3A_242 : vector<448x1xi32>
    %shift_right_arithmetic3A_245 = arith.constant 1 : i32
    %shift_right_arithmetic3A_246 = vector.broadcast %shift_right_arithmetic3A_245 : i32 to vector<448x1xi32>
    %shift_right_arithmetic3A_247 = arith.shrsi %add3A_244, %shift_right_arithmetic3A_246 : vector<448x1xi32>
    %shift_left3A_248 = arith.constant 16 : i32
    %shift_left3A_249 = vector.broadcast %shift_left3A_248 : i32 to vector<448x1xi32>
    %shift_left3A_250 = arith.shli %shift_right_arithmetic3A_247, %shift_left3A_249 : vector<448x1xi32>
    %bitcast_convert_type3A_251 = tpu.bitcast %shift_left3A_250 : vector<448x1xi32> -> vector<448x1xf32>
    %convert_element_type3A_252 = arith.truncf %bitcast_convert_type3A_251 : vector<448x1xf32> to vector<448x1xbf16>
    %ge3A_253 = vector.broadcast %convert_element_type3A_252 : vector<448x1xbf16> to vector<448x896xbf16>
    %ge3A_254 = arith.cmpf oge, %convert_element_type3A, %ge3A_253 : vector<448x896xbf16>
    %convert_element_type3A_255 = arith.extui %ge3A_254 : vector<448x896xi1> to vector<448x896xi32>
    %convert_element_type3A_256 = arith.sitofp %convert_element_type3A_255 : vector<448x896xi32> to vector<448x896xf32>
    %reduce_sum3A_257 = arith.constant dense<0.000000e+00> : vector<448xf32>
    %reduce_sum3A_258 = vector.multi_reduction <add>, %convert_element_type3A_256, %reduce_sum3A_257 [1] : vector<448x896xf32> to vector<448xf32>
    %broadcast_in_dim3A_259 = vector.shape_cast %reduce_sum3A_258 : vector<448xf32> to vector<448x1xf32>
    %ge3A_260 = arith.constant 2.000000e+01 : f32
    %ge3A_261 = vector.broadcast %ge3A_260 : f32 to vector<448x1xf32>
    %ge3A_262 = arith.cmpf oge, %broadcast_in_dim3A_259, %ge3A_261 : vector<448x1xf32>
    %select_n3A_263 = arith.select %ge3A_262, %shift_right_arithmetic3A_247, %select_n3A_241 : vector<448x1xi1>, vector<448x1xi32>
    %select_n3A_264 = arith.select %ge3A_262, %select_n3A_242, %shift_right_arithmetic3A_247 : vector<448x1xi1>, vector<448x1xi32>
    %select_n3A_265 = arith.select %ge3A_262, %select_n3A_243, %broadcast_in_dim3A_259 : vector<448x1xi1>, vector<448x1xf32>
    %add3A_266 = arith.addi %select_n3A_263, %select_n3A_264 : vector<448x1xi32>
    %shift_right_arithmetic3A_267 = arith.constant 1 : i32
    %shift_right_arithmetic3A_268 = vector.broadcast %shift_right_arithmetic3A_267 : i32 to vector<448x1xi32>
    %shift_right_arithmetic3A_269 = arith.shrsi %add3A_266, %shift_right_arithmetic3A_268 : vector<448x1xi32>
    %shift_left3A_270 = arith.constant 16 : i32
    %shift_left3A_271 = vector.broadcast %shift_left3A_270 : i32 to vector<448x1xi32>
    %shift_left3A_272 = arith.shli %shift_right_arithmetic3A_269, %shift_left3A_271 : vector<448x1xi32>
    %bitcast_convert_type3A_273 = tpu.bitcast %shift_left3A_272 : vector<448x1xi32> -> vector<448x1xf32>
    %convert_element_type3A_274 = arith.truncf %bitcast_convert_type3A_273 : vector<448x1xf32> to vector<448x1xbf16>
    %ge3A_275 = vector.broadcast %convert_element_type3A_274 : vector<448x1xbf16> to vector<448x896xbf16>
    %ge3A_276 = arith.cmpf oge, %convert_element_type3A, %ge3A_275 : vector<448x896xbf16>
    %convert_element_type3A_277 = arith.extui %ge3A_276 : vector<448x896xi1> to vector<448x896xi32>
    %convert_element_type3A_278 = arith.sitofp %convert_element_type3A_277 : vector<448x896xi32> to vector<448x896xf32>
    %reduce_sum3A_279 = arith.constant dense<0.000000e+00> : vector<448xf32>
    %reduce_sum3A_280 = vector.multi_reduction <add>, %convert_element_type3A_278, %reduce_sum3A_279 [1] : vector<448x896xf32> to vector<448xf32>
    %broadcast_in_dim3A_281 = vector.shape_cast %reduce_sum3A_280 : vector<448xf32> to vector<448x1xf32>
    %ge3A_282 = arith.constant 2.000000e+01 : f32
    %ge3A_283 = vector.broadcast %ge3A_282 : f32 to vector<448x1xf32>
    %ge3A_284 = arith.cmpf oge, %broadcast_in_dim3A_281, %ge3A_283 : vector<448x1xf32>
    %select_n3A_285 = arith.select %ge3A_284, %shift_right_arithmetic3A_269, %select_n3A_263 : vector<448x1xi1>, vector<448x1xi32>
    %select_n3A_286 = arith.select %ge3A_284, %select_n3A_264, %shift_right_arithmetic3A_269 : vector<448x1xi1>, vector<448x1xi32>
    %select_n3A_287 = arith.select %ge3A_284, %select_n3A_265, %broadcast_in_dim3A_281 : vector<448x1xi1>, vector<448x1xf32>
    %add3A_288 = arith.addi %select_n3A_285, %select_n3A_286 : vector<448x1xi32>
    %shift_right_arithmetic3A_289 = arith.constant 1 : i32
    %shift_right_arithmetic3A_290 = vector.broadcast %shift_right_arithmetic3A_289 : i32 to vector<448x1xi32>
    %shift_right_arithmetic3A_291 = arith.shrsi %add3A_288, %shift_right_arithmetic3A_290 : vector<448x1xi32>
    %shift_left3A_292 = arith.constant 16 : i32
    %shift_left3A_293 = vector.broadcast %shift_left3A_292 : i32 to vector<448x1xi32>
    %shift_left3A_294 = arith.shli %shift_right_arithmetic3A_291, %shift_left3A_293 : vector<448x1xi32>
    %bitcast_convert_type3A_295 = tpu.bitcast %shift_left3A_294 : vector<448x1xi32> -> vector<448x1xf32>
    %convert_element_type3A_296 = arith.truncf %bitcast_convert_type3A_295 : vector<448x1xf32> to vector<448x1xbf16>
    %ge3A_297 = vector.broadcast %convert_element_type3A_296 : vector<448x1xbf16> to vector<448x896xbf16>
    %ge3A_298 = arith.cmpf oge, %convert_element_type3A, %ge3A_297 : vector<448x896xbf16>
    %convert_element_type3A_299 = arith.extui %ge3A_298 : vector<448x896xi1> to vector<448x896xi32>
    %convert_element_type3A_300 = arith.sitofp %convert_element_type3A_299 : vector<448x896xi32> to vector<448x896xf32>
    %reduce_sum3A_301 = arith.constant dense<0.000000e+00> : vector<448xf32>
    %reduce_sum3A_302 = vector.multi_reduction <add>, %convert_element_type3A_300, %reduce_sum3A_301 [1] : vector<448x896xf32> to vector<448xf32>
    %broadcast_in_dim3A_303 = vector.shape_cast %reduce_sum3A_302 : vector<448xf32> to vector<448x1xf32>
    %ge3A_304 = arith.constant 2.000000e+01 : f32
    %ge3A_305 = vector.broadcast %ge3A_304 : f32 to vector<448x1xf32>
    %ge3A_306 = arith.cmpf oge, %broadcast_in_dim3A_303, %ge3A_305 : vector<448x1xf32>
    %select_n3A_307 = arith.select %ge3A_306, %shift_right_arithmetic3A_291, %select_n3A_285 : vector<448x1xi1>, vector<448x1xi32>
    %select_n3A_308 = arith.select %ge3A_306, %select_n3A_286, %shift_right_arithmetic3A_291 : vector<448x1xi1>, vector<448x1xi32>
    %select_n3A_309 = arith.select %ge3A_306, %select_n3A_287, %broadcast_in_dim3A_303 : vector<448x1xi1>, vector<448x1xf32>
    %add3A_310 = arith.addi %select_n3A_307, %select_n3A_308 : vector<448x1xi32>
    %shift_right_arithmetic3A_311 = arith.constant 1 : i32
    %shift_right_arithmetic3A_312 = vector.broadcast %shift_right_arithmetic3A_311 : i32 to vector<448x1xi32>
    %shift_right_arithmetic3A_313 = arith.shrsi %add3A_310, %shift_right_arithmetic3A_312 : vector<448x1xi32>
    %shift_left3A_314 = arith.constant 16 : i32
    %shift_left3A_315 = vector.broadcast %shift_left3A_314 : i32 to vector<448x1xi32>
    %shift_left3A_316 = arith.shli %shift_right_arithmetic3A_313, %shift_left3A_315 : vector<448x1xi32>
    %bitcast_convert_type3A_317 = tpu.bitcast %shift_left3A_316 : vector<448x1xi32> -> vector<448x1xf32>
    %convert_element_type3A_318 = arith.truncf %bitcast_convert_type3A_317 : vector<448x1xf32> to vector<448x1xbf16>
    %ge3A_319 = vector.broadcast %convert_element_type3A_318 : vector<448x1xbf16> to vector<448x896xbf16>
    %ge3A_320 = arith.cmpf oge, %convert_element_type3A, %ge3A_319 : vector<448x896xbf16>
    %convert_element_type3A_321 = arith.extui %ge3A_320 : vector<448x896xi1> to vector<448x896xi32>
    %convert_element_type3A_322 = arith.sitofp %convert_element_type3A_321 : vector<448x896xi32> to vector<448x896xf32>
    %reduce_sum3A_323 = arith.constant dense<0.000000e+00> : vector<448xf32>
    %reduce_sum3A_324 = vector.multi_reduction <add>, %convert_element_type3A_322, %reduce_sum3A_323 [1] : vector<448x896xf32> to vector<448xf32>
    %broadcast_in_dim3A_325 = vector.shape_cast %reduce_sum3A_324 : vector<448xf32> to vector<448x1xf32>
    %ge3A_326 = arith.constant 2.000000e+01 : f32
    %ge3A_327 = vector.broadcast %ge3A_326 : f32 to vector<448x1xf32>
    %ge3A_328 = arith.cmpf oge, %broadcast_in_dim3A_325, %ge3A_327 : vector<448x1xf32>
    %select_n3A_329 = arith.select %ge3A_328, %shift_right_arithmetic3A_313, %select_n3A_307 : vector<448x1xi1>, vector<448x1xi32>
    %select_n3A_330 = arith.select %ge3A_328, %select_n3A_309, %broadcast_in_dim3A_325 : vector<448x1xi1>, vector<448x1xf32>
    %shift_left3A_331 = arith.constant 16 : i32
    %shift_left3A_332 = vector.broadcast %shift_left3A_331 : i32 to vector<448x1xi32>
    %shift_left3A_333 = arith.shli %select_n3A_329, %shift_left3A_332 : vector<448x1xi32>
    %bitcast_convert_type3A_334 = tpu.bitcast %shift_left3A_333 : vector<448x1xi32> -> vector<448x1xf32>
    %eq3A = vector.broadcast %bitcast_convert_type3A_334 : vector<448x1xf32> to vector<448x896xf32>
    %eq3A_335 = arith.cmpf oeq, %bitcast_convert_type3A_21, %eq3A : vector<448x896xf32>
    %jit3A_336 = arith.constant -1.000000e+00 : f32
    %broadcast_in_dim3A_337 = vector.broadcast %jit3A_336 : f32 to vector<448x896xf32>
    %select_n3A_338 = arith.select %eq3A_335, %div3A_18, %broadcast_in_dim3A_337 : vector<448x896xi1>, vector<448x896xf32>
    %sub3A_339 = arith.constant 2.000000e+01 : f32
    %sub3A_340 = vector.broadcast %sub3A_339 : f32 to vector<448x1xf32>
    %sub3A_341 = arith.subf %sub3A_340, %select_n3A_330 : vector<448x1xf32>
    %broadcast_in_dim3A_342 = arith.constant 2.000000e+00 : f32
    %broadcast_in_dim3A_343 = vector.broadcast %broadcast_in_dim3A_342 : f32 to vector<448x1xf32>
    %reduce_max3A_344 = arith.constant dense<0xFF800000> : vector<448xf32>
    %reduce_max3A_345 = vector.multi_reduction <maximumf>, %select_n3A_338, %reduce_max3A_344 [1] : vector<448x896xf32> to vector<448xf32>
    %broadcast_in_dim3A_346 = vector.shape_cast %reduce_max3A_345 : vector<448xf32> to vector<448x1xf32>
    %eq3A_347 = vector.broadcast %broadcast_in_dim3A_346 : vector<448x1xf32> to vector<448x896xf32>
    %eq3A_348 = arith.cmpf oeq, %select_n3A_338, %eq3A_347 : vector<448x896xf32>
    %convert_element_type3A_349 = arith.extui %eq3A_348 : vector<448x896xi1> to vector<448x896xi32>
    %convert_element_type3A_350 = arith.sitofp %convert_element_type3A_349 : vector<448x896xi32> to vector<448x896xf32>
    %reduce_sum3A_351 = arith.constant dense<0.000000e+00> : vector<448xf32>
    %reduce_sum3A_352 = vector.multi_reduction <add>, %convert_element_type3A_350, %reduce_sum3A_351 [1] : vector<448x896xf32> to vector<448xf32>
    %broadcast_in_dim3A_353 = vector.shape_cast %reduce_sum3A_352 : vector<448xf32> to vector<448x1xf32>
    %gt3A = arith.constant 0.000000e+00 : f32
    %gt3A_354 = vector.broadcast %gt3A : f32 to vector<448x1xf32>
    %gt3A_355 = arith.cmpf ogt, %sub3A_341, %gt3A_354 : vector<448x1xf32>
    %select_n3A_356 = arith.select %gt3A_355, %broadcast_in_dim3A_346, %broadcast_in_dim3A_343 : vector<448x1xi1>, vector<448x1xf32>
    %jit3A_357 = arith.constant 0.000000e+00 : f32
    %broadcast_in_dim3A_358 = vector.broadcast %jit3A_357 : f32 to vector<448x1xf32>
    %select_n3A_359 = arith.select %gt3A_355, %broadcast_in_dim3A_353, %broadcast_in_dim3A_358 : vector<448x1xi1>, vector<448x1xf32>
    %sub3A_360 = arith.subf %sub3A_341, %select_n3A_359 : vector<448x1xf32>
    %jit3A_361 = arith.constant -1.000000e+00 : f32
    %broadcast_in_dim3A_362 = vector.broadcast %jit3A_361 : f32 to vector<448x896xf32>
    %select_n3A_363 = arith.select %eq3A_348, %broadcast_in_dim3A_362, %select_n3A_338 : vector<448x896xi1>, vector<448x896xf32>
    %reduce_max3A_364 = arith.constant dense<0xFF800000> : vector<448xf32>
    %reduce_max3A_365 = vector.multi_reduction <maximumf>, %select_n3A_363, %reduce_max3A_364 [1] : vector<448x896xf32> to vector<448xf32>
    %broadcast_in_dim3A_366 = vector.shape_cast %reduce_max3A_365 : vector<448xf32> to vector<448x1xf32>
    %eq3A_367 = vector.broadcast %broadcast_in_dim3A_366 : vector<448x1xf32> to vector<448x896xf32>
    %eq3A_368 = arith.cmpf oeq, %select_n3A_363, %eq3A_367 : vector<448x896xf32>
    %convert_element_type3A_369 = arith.extui %eq3A_368 : vector<448x896xi1> to vector<448x896xi32>
    %convert_element_type3A_370 = arith.sitofp %convert_element_type3A_369 : vector<448x896xi32> to vector<448x896xf32>
    %reduce_sum3A_371 = arith.constant dense<0.000000e+00> : vector<448xf32>
    %reduce_sum3A_372 = vector.multi_reduction <add>, %convert_element_type3A_370, %reduce_sum3A_371 [1] : vector<448x896xf32> to vector<448xf32>
    %broadcast_in_dim3A_373 = vector.shape_cast %reduce_sum3A_372 : vector<448xf32> to vector<448x1xf32>
    %gt3A_374 = arith.constant 0.000000e+00 : f32
    %gt3A_375 = vector.broadcast %gt3A_374 : f32 to vector<448x1xf32>
    %gt3A_376 = arith.cmpf ogt, %sub3A_360, %gt3A_375 : vector<448x1xf32>
    %select_n3A_377 = arith.select %gt3A_376, %broadcast_in_dim3A_366, %select_n3A_356 : vector<448x1xi1>, vector<448x1xf32>
    %jit3A_378 = arith.constant 0.000000e+00 : f32
    %broadcast_in_dim3A_379 = vector.broadcast %jit3A_378 : f32 to vector<448x1xf32>
    %select_n3A_380 = arith.select %gt3A_376, %broadcast_in_dim3A_373, %broadcast_in_dim3A_379 : vector<448x1xi1>, vector<448x1xf32>
    %sub3A_381 = arith.subf %sub3A_360, %select_n3A_380 : vector<448x1xf32>
    %jit3A_382 = arith.constant -1.000000e+00 : f32
    %broadcast_in_dim3A_383 = vector.broadcast %jit3A_382 : f32 to vector<448x896xf32>
    %select_n3A_384 = arith.select %eq3A_368, %broadcast_in_dim3A_383, %select_n3A_363 : vector<448x896xi1>, vector<448x896xf32>
    %while3A:3 = scf.while (%while3A_419 = %select_n3A_384, %while3A_420 = %sub3A_381, %while3A_421 = %select_n3A_377) : (vector<448x896xf32>, vector<448x1xf32>, vector<448x1xf32>) -> (vector<448x896xf32>, vector<448x1xf32>, vector<448x1xf32>) {
      %gt3A_422 = arith.constant 0.000000e+00 : f32
      %gt3A_423 = vector.broadcast %gt3A_422 : f32 to vector<448x1xf32>
      %gt3A_424 = arith.cmpf ogt, %while3A_420, %gt3A_423 : vector<448x1xf32>
      %reduce_or3A = arith.constant 1.000000e+00 : f32
      %reduce_or3A_425 = arith.constant 0.000000e+00 : f32
      %reduce_or3A_426 = vector.broadcast %reduce_or3A : f32 to vector<448x1xf32>
      %reduce_or3A_427 = vector.broadcast %reduce_or3A_425 : f32 to vector<448x1xf32>
      %reduce_or3A_428 = arith.select %gt3A_424, %reduce_or3A_426, %reduce_or3A_427 : vector<448x1xi1>, vector<448x1xf32>
      %reduce_or3A_429 = vector.shape_cast %reduce_or3A_428 : vector<448x1xf32> to vector<1x448x1xf32>
      %reduce_or3A_430 = arith.constant dense<0xFF800000> : vector<1xf32>
      %reduce_or3A_431 = vector.multi_reduction <maximumf>, %reduce_or3A_429, %reduce_or3A_430 [1, 2] : vector<1x448x1xf32> to vector<1xf32>
      %reduce_or3A_432 = vector.shape_cast %reduce_or3A_431 : vector<1xf32> to vector<1x1x1xf32>
      %reduce_or3A_433 = vector.extract %reduce_or3A_432[0, 0, 0] : f32 from vector<1x1x1xf32>
      %reduce_or3A_434 = arith.constant 0.000000e+00 : f32
      %reduce_or3A_435 = arith.cmpf ogt, %reduce_or3A_433, %reduce_or3A_434 : f32
      scf.condition(%reduce_or3A_435) %while3A_419, %while3A_420, %while3A_421 : vector<448x896xf32>, vector<448x1xf32>, vector<448x1xf32>
    } do {
    ^bb0(%while3A_419: vector<448x896xf32>, %while3A_420: vector<448x1xf32>, %while3A_421: vector<448x1xf32>):
      %reduce_max3A_422 = arith.constant dense<0xFF800000> : vector<448xf32>
      %reduce_max3A_423 = vector.multi_reduction <maximumf>, %while3A_419, %reduce_max3A_422 [1] : vector<448x896xf32> to vector<448xf32>
      %broadcast_in_dim3A_424 = vector.shape_cast %reduce_max3A_423 : vector<448xf32> to vector<448x1xf32>
      %eq3A_425 = vector.broadcast %broadcast_in_dim3A_424 : vector<448x1xf32> to vector<448x896xf32>
      %eq3A_426 = arith.cmpf oeq, %while3A_419, %eq3A_425 : vector<448x896xf32>
      %convert_element_type3A_427 = arith.extui %eq3A_426 : vector<448x896xi1> to vector<448x896xi32>
      %convert_element_type3A_428 = arith.sitofp %convert_element_type3A_427 : vector<448x896xi32> to vector<448x896xf32>
      %reduce_sum3A_429 = arith.constant dense<0.000000e+00> : vector<448xf32>
      %reduce_sum3A_430 = vector.multi_reduction <add>, %convert_element_type3A_428, %reduce_sum3A_429 [1] : vector<448x896xf32> to vector<448xf32>
      %broadcast_in_dim3A_431 = vector.shape_cast %reduce_sum3A_430 : vector<448xf32> to vector<448x1xf32>
      %gt3A_432 = arith.constant 0.000000e+00 : f32
      %gt3A_433 = vector.broadcast %gt3A_432 : f32 to vector<448x1xf32>
      %gt3A_434 = arith.cmpf ogt, %while3A_420, %gt3A_433 : vector<448x1xf32>
      %select_n3A_435 = arith.select %gt3A_434, %broadcast_in_dim3A_424, %while3A_421 : vector<448x1xi1>, vector<448x1xf32>
      %jit3A_436 = arith.constant 0.000000e+00 : f32
      %broadcast_in_dim3A_437 = vector.broadcast %jit3A_436 : f32 to vector<448x1xf32>
      %select_n3A_438 = arith.select %gt3A_434, %broadcast_in_dim3A_431, %broadcast_in_dim3A_437 : vector<448x1xi1>, vector<448x1xf32>
      %sub3A_439 = arith.subf %while3A_420, %select_n3A_438 : vector<448x1xf32>
      %jit3A_440 = arith.constant -1.000000e+00 : f32
      %broadcast_in_dim3A_441 = vector.broadcast %jit3A_440 : f32 to vector<448x896xf32>
      %select_n3A_442 = arith.select %eq3A_426, %broadcast_in_dim3A_441, %while3A_419 : vector<448x896xi1>, vector<448x896xf32>
      scf.yield %select_n3A_442, %sub3A_439, %select_n3A_435 : vector<448x896xf32>, vector<448x1xf32>, vector<448x1xf32>
    }
    %gt3A_385 = vector.broadcast %while3A#2 : vector<448x1xf32> to vector<448x896xf32>
    %gt3A_386 = arith.cmpf ogt, %div3A_18, %gt3A_385 : vector<448x896xf32>
    %broadcast_in_dim3A_387 = arith.constant 1.000000e+00 : bf16
    %broadcast_in_dim3A_388 = vector.broadcast %broadcast_in_dim3A_387 : bf16 to vector<896x1xbf16>
    %convert_element_type3A_389 = arith.extui %gt3A_386 : vector<448x896xi1> to vector<448x896xi32>
    %convert_element_type3A_390 = arith.sitofp %convert_element_type3A_389 : vector<448x896xi32> to vector<448x896xf32>
    %convert_element_type3A_391 = arith.truncf %convert_element_type3A_390 : vector<448x896xf32> to vector<448x896xbf16>
    %dot_general3A_392 = arith.constant dense<0.000000e+00> : vector<448x1xf32>
    %dot_general3A_393 = tpu.matmul %convert_element_type3A_391, %broadcast_in_dim3A_388, %dot_general3A_392 {dimension_numbers = #tpu.dot_dimension_numbers<[1], [0], [0], [1], [0, 0, 1, 1], [], []>, transpose_lhs_hint = false} : vector<448x896xbf16>, vector<896x1xbf16>, vector<448x1xf32> -> vector<448x1xf32>
    %sub3A_394 = arith.constant 2.000000e+01 : f32
    %sub3A_395 = vector.broadcast %sub3A_394 : f32 to vector<448x1xf32>
    %sub3A_396 = arith.subf %sub3A_395, %dot_general3A_393 : vector<448x1xf32>
    %eq3A_397 = vector.broadcast %while3A#2 : vector<448x1xf32> to vector<448x896xf32>
    %eq3A_398 = arith.cmpf oeq, %div3A_18, %eq3A_397 : vector<448x896xf32>
    %convert_element_type3A_399 = arith.extui %eq3A_398 : vector<448x896xi1> to vector<448x896xi32>
    %convert_element_type3A_400 = arith.sitofp %convert_element_type3A_399 : vector<448x896xi32> to vector<448x896xf32>
    %iota3A_401 = tpu.iota {dimensions = array<i32: 0>} : vector<896x896xi32>
    %iota3A_402 = tpu.iota {dimensions = array<i32: 1>} : vector<896x896xi32>
    %lt3A_403 = arith.cmpi slt, %iota3A_401, %iota3A_402 : vector<896x896xi32>
    %convert_element_type3A_404 = arith.extui %lt3A_403 : vector<896x896xi1> to vector<896x896xi32>
    %convert_element_type3A_405 = arith.sitofp %convert_element_type3A_404 : vector<896x896xi32> to vector<896x896xf32>
    %dot_general3A_406 = arith.constant dense<0.000000e+00> : vector<448x896xf32>
    %dot_general3A_407 = tpu.matmul %convert_element_type3A_400, %convert_element_type3A_405, %dot_general3A_406 {dimension_numbers = #tpu.dot_dimension_numbers<[1], [0], [0], [1], [0, 0, 1, 1], [], []>, transpose_lhs_hint = false} : vector<448x896xf32>, vector<896x896xf32>, vector<448x896xf32> -> vector<448x896xf32>
    %gt3A_408 = arith.constant 0.000000e+00 : f32
    %gt3A_409 = vector.broadcast %gt3A_408 : f32 to vector<448x896xf32>
    %gt3A_410 = arith.cmpf ogt, %convert_element_type3A_400, %gt3A_409 : vector<448x896xf32>
    %lt3A_411 = vector.broadcast %sub3A_396 : vector<448x1xf32> to vector<448x896xf32>
    %lt3A_412 = arith.cmpf olt, %dot_general3A_407, %lt3A_411 : vector<448x896xf32>
    %and3A_413 = arith.andi %gt3A_410, %lt3A_412 : vector<448x896xi1>
    %or3A = arith.ori %gt3A_386, %and3A_413 : vector<448x896xi1>
    %jit3A_414 = arith.constant 0.000000e+00 : f32
    %broadcast_in_dim3A_415 = vector.broadcast %jit3A_414 : f32 to vector<448x896xf32>
    %select_n3A_416 = arith.select %or3A, %div3A_18, %broadcast_in_dim3A_415 : vector<448x896xi1>, vector<448x896xf32>
    %swap3A = arith.constant 0 : index
    %swap3A_417 = arith.constant 0 : index
    %swap3A_418 = vector.load %arg3[%swap3A, %swap3A_417] : memref<448x896xf32, #tpu.memory_space<vmem>>, vector<448x896xf32>
    tpu.vector_store %arg3[%swap3A, %swap3A_417], %select_n3A_416 {strides = array<i32>} : memref<448x896xf32, #tpu.memory_space<vmem>>, vector<448x896xf32>,
    return
  }
  func.func @transform_0(%arg0: i32) -> (i32, i32) {
    %c0_i32 = arith.constant 0 : i32
    %c0_i32_0 = arith.constant 0 : i32
    return %arg0, %c0_i32 : i32, i32
  }
  func.func @transform_1(%arg0: i32) -> (i32, i32) {
    %c0_i32 = arith.constant 0 : i32
    %c0_i32_0 = arith.constant 0 : i32
    %c0_i32_1 = arith.constant 0 : i32
    return %c0_i32, %c0_i32_0 : i32, i32
  }
  func.func @transform_2(%arg0: i32) -> (i32, i32) {
    %c0_i32 = arith.constant 0 : i32
    %c0_i32_0 = arith.constant 0 : i32
    return %arg0, %c0_i32 : i32, i32
  }
}

module attributes {stable_mosaic.version = 14 : i64} {
  func.func @_prep_body(%arg0: i32, %arg1: memref<1x896x40xf32, #tpu.memory_space<vmem>>, %arg2: memref<1x896x32xf32, #tpu.memory_space<vmem>>, %arg3: memref<1x896x32xf32, #tpu.memory_space<vmem>>, %arg4: memref<896x32xf32, #tpu.memory_space<vmem>>, %arg5: memref<40x32xf32, #tpu.memory_space<vmem>>, %arg6: memref<1x32xf32, #tpu.memory_space<vmem>>, %arg7: memref<128x64xf32, #tpu.memory_space<vmem>>, %arg8: memref<1x64xf32, #tpu.memory_space<vmem>>, %arg9: memref<64x64xf32, #tpu.memory_space<vmem>>, %arg10: memref<1x64xf32, #tpu.memory_space<vmem>>, %arg11: memref<64x40xf32, #tpu.memory_space<vmem>>, %arg12: memref<1x40xf32, #tpu.memory_space<vmem>>, %arg13: memref<896x40xf32, #tpu.memory_space<vmem>>, %arg14: memref<1x896x128xf32, #tpu.memory_space<vmem>>, %arg15: memref<1x896x40xf32, #tpu.memory_space<vmem>>) attributes {dimension_semantics = [#tpu.dimension_semantics<arbitrary>], iteration_bounds = array<i64: 32>, scalar_prefetch = 0 : i64, scratch_operands = 0 : i64, tpu.core_type = #tpu.core_type<tc>, window_params = [{transform_indices = @transform_0, window_bounds = array<i64: 1, 896, 40>}, {transform_indices = @transform_1, window_bounds = array<i64: 1, 896, 32>}, {transform_indices = @transform_2, window_bounds = array<i64: 1, 896, 32>}, {pipeline_mode = #tpu.pipeline_mode<synchronous>, transform_indices = @transform_3, window_bounds = array<i64: 896, 32>}, {pipeline_mode = #tpu.pipeline_mode<synchronous>, transform_indices = @transform_4, window_bounds = array<i64: 40, 32>}, {pipeline_mode = #tpu.pipeline_mode<synchronous>, transform_indices = @transform_5, window_bounds = array<i64: 1, 32>}, {pipeline_mode = #tpu.pipeline_mode<synchronous>, transform_indices = @transform_6, window_bounds = array<i64: 128, 64>}, {pipeline_mode = #tpu.pipeline_mode<synchronous>, transform_indices = @transform_7, window_bounds = array<i64: 1, 64>}, {pipeline_mode = #tpu.pipeline_mode<synchronous>, transform_indices = @transform_8, window_bounds = array<i64: 64, 64>}, {pipeline_mode = #tpu.pipeline_mode<synchronous>, transform_indices = @transform_9, window_bounds = array<i64: 1, 64>}, {pipeline_mode = #tpu.pipeline_mode<synchronous>, transform_indices = @transform_10, window_bounds = array<i64: 64, 40>}, {pipeline_mode = #tpu.pipeline_mode<synchronous>, transform_indices = @transform_11, window_bounds = array<i64: 1, 40>}, {pipeline_mode = #tpu.pipeline_mode<synchronous>, transform_indices = @transform_12, window_bounds = array<i64: 896, 40>}, {transform_indices = @transform_13, window_bounds = array<i64: 1, 896, 128>}, {transform_indices = @transform_14, window_bounds = array<i64: 1, 896, 40>}]} {
    %get3A = arith.constant 0 : index
    %get3A_0 = arith.constant 0 : index
    %get3A_1 = arith.constant 0 : index
    %get3A_2 = vector.load %arg1[%get3A, %get3A_0, %get3A_1] : memref<1x896x40xf32, #tpu.memory_space<vmem>>, vector<1x896x40xf32>
    %get3A_3 = vector.shape_cast %get3A_2 : vector<1x896x40xf32> to vector<896x40xf32>
    %get3A_4 = arith.constant 0 : index
    %get3A_5 = arith.constant 0 : index
    %get3A_6 = vector.load %arg5[%get3A_4, %get3A_5] : memref<40x32xf32, #tpu.memory_space<vmem>>, vector<40x32xf32>
    %convert_element_type3A = arith.truncf %get3A_3 : vector<896x40xf32> to vector<896x40xbf16>
    %convert_element_type3A_7 = arith.extf %convert_element_type3A : vector<896x40xbf16> to vector<896x40xf32>
    %sub3A = arith.subf %get3A_3, %convert_element_type3A_7 : vector<896x40xf32>
    %convert_element_type3A_8 = arith.truncf %get3A_6 : vector<40x32xf32> to vector<40x32xbf16>
    %convert_element_type3A_9 = arith.extf %convert_element_type3A_8 : vector<40x32xbf16> to vector<40x32xf32>
    %sub3A_10 = arith.subf %get3A_6, %convert_element_type3A_9 : vector<40x32xf32>
    %dot_general3A = arith.constant dense<0.000000e+00> : vector<896x32xf32>
    %dot_general3A_11 = tpu.matmul %convert_element_type3A_7, %convert_element_type3A_9, %dot_general3A {dimension_numbers = #tpu.dot_dimension_numbers<[1], [0], [0], [1], [0, 0, 1, 1], [], []>, transpose_lhs_hint = false} : vector<896x40xf32>, vector<40x32xf32>, vector<896x32xf32> -> vector<896x32xf32>
    %dot_general3A_12 = arith.constant dense<0.000000e+00> : vector<896x32xf32>
    %dot_general3A_13 = tpu.matmul %convert_element_type3A_7, %sub3A_10, %dot_general3A_12 {dimension_numbers = #tpu.dot_dimension_numbers<[1], [0], [0], [1], [0, 0, 1, 1], [], []>, transpose_lhs_hint = false} : vector<896x40xf32>, vector<40x32xf32>, vector<896x32xf32> -> vector<896x32xf32>
    %dot_general3A_14 = arith.constant dense<0.000000e+00> : vector<896x32xf32>
    %dot_general3A_15 = tpu.matmul %sub3A, %convert_element_type3A_9, %dot_general3A_14 {dimension_numbers = #tpu.dot_dimension_numbers<[1], [0], [0], [1], [0, 0, 1, 1], [], []>, transpose_lhs_hint = false} : vector<896x40xf32>, vector<40x32xf32>, vector<896x32xf32> -> vector<896x32xf32>
    %add3A = arith.addf %dot_general3A_13, %dot_general3A_15 : vector<896x32xf32>
    %add3A_16 = arith.addf %dot_general3A_11, %add3A : vector<896x32xf32>
    %get3A_17 = arith.constant 0 : index
    %get3A_18 = arith.constant 0 : index
    %get3A_19 = vector.load %arg6[%get3A_17, %get3A_18] : memref<1x32xf32, #tpu.memory_space<vmem>>, vector<1x32xf32>
    %add3A_20 = vector.broadcast %get3A_19 : vector<1x32xf32> to vector<896x32xf32>
    %add3A_21 = arith.addf %add3A_16, %add3A_20 : vector<896x32xf32>
    %get3A_22 = arith.constant 0 : index
    %get3A_23 = arith.constant 0 : index
    %get3A_24 = vector.load %arg4[%get3A_22, %get3A_23] : memref<896x32xf32, #tpu.memory_space<vmem>>, vector<896x32xf32>
    %get3A_25 = arith.constant 0 : index
    %get3A_26 = arith.constant 0 : index
    %get3A_27 = arith.constant 0 : index
    %get3A_28 = vector.load %arg2[%get3A_25, %get3A_26, %get3A_27] : memref<1x896x32xf32, #tpu.memory_space<vmem>>, vector<1x896x32xf32>
    %get3A_29 = vector.shape_cast %get3A_28 : vector<1x896x32xf32> to vector<896x32xf32>
    %get3A_30 = arith.constant 0 : index
    %get3A_31 = arith.constant 0 : index
    %get3A_32 = arith.constant 0 : index
    %get3A_33 = vector.load %arg3[%get3A_30, %get3A_31, %get3A_32] : memref<1x896x32xf32, #tpu.memory_space<vmem>>, vector<1x896x32xf32>
    %get3A_34 = vector.shape_cast %get3A_33 : vector<1x896x32xf32> to vector<896x32xf32>
    %concatenate3A = tpu.concatenate %add3A_21, %get3A_24, %get3A_29, %get3A_34 in 1 : vector<896x32xf32>, vector<896x32xf32>, vector<896x32xf32>, vector<896x32xf32> -> vector<896x128xf32>
    %swap3A = arith.constant 0 : index
    %swap3A_35 = arith.constant 0 : index
    %swap3A_36 = arith.constant 0 : index
    %swap3A_37 = vector.load %arg14[%swap3A, %swap3A_35, %swap3A_36] : memref<1x896x128xf32, #tpu.memory_space<vmem>>, vector<1x896x128xf32>
    %swap3A_38 = vector.shape_cast %swap3A_37 : vector<1x896x128xf32> to vector<896x128xf32>
    %swap3A_39 = vector.shape_cast %concatenate3A : vector<896x128xf32> to vector<1x896x128xf32>
    tpu.vector_store %arg14[%swap3A, %swap3A_35, %swap3A_36], %swap3A_39 {strides = array<i32>} : memref<1x896x128xf32, #tpu.memory_space<vmem>>, vector<1x896x128xf32>,
    %get3A_40 = arith.constant 0 : index
    %get3A_41 = arith.constant 0 : index
    %get3A_42 = vector.load %arg7[%get3A_40, %get3A_41] : memref<128x64xf32, #tpu.memory_space<vmem>>, vector<128x64xf32>
    %convert_element_type3A_43 = arith.truncf %concatenate3A : vector<896x128xf32> to vector<896x128xbf16>
    %convert_element_type3A_44 = arith.extf %convert_element_type3A_43 : vector<896x128xbf16> to vector<896x128xf32>
    %sub3A_45 = arith.subf %concatenate3A, %convert_element_type3A_44 : vector<896x128xf32>
    %convert_element_type3A_46 = arith.truncf %get3A_42 : vector<128x64xf32> to vector<128x64xbf16>
    %convert_element_type3A_47 = arith.extf %convert_element_type3A_46 : vector<128x64xbf16> to vector<128x64xf32>
    %sub3A_48 = arith.subf %get3A_42, %convert_element_type3A_47 : vector<128x64xf32>
    %dot_general3A_49 = arith.constant dense<0.000000e+00> : vector<896x64xf32>
    %dot_general3A_50 = tpu.matmul %convert_element_type3A_44, %convert_element_type3A_47, %dot_general3A_49 {dimension_numbers = #tpu.dot_dimension_numbers<[1], [0], [0], [1], [0, 0, 1, 1], [], []>, transpose_lhs_hint = false} : vector<896x128xf32>, vector<128x64xf32>, vector<896x64xf32> -> vector<896x64xf32>
    %dot_general3A_51 = arith.constant dense<0.000000e+00> : vector<896x64xf32>
    %dot_general3A_52 = tpu.matmul %convert_element_type3A_44, %sub3A_48, %dot_general3A_51 {dimension_numbers = #tpu.dot_dimension_numbers<[1], [0], [0], [1], [0, 0, 1, 1], [], []>, transpose_lhs_hint = false} : vector<896x128xf32>, vector<128x64xf32>, vector<896x64xf32> -> vector<896x64xf32>
    %dot_general3A_53 = arith.constant dense<0.000000e+00> : vector<896x64xf32>
    %dot_general3A_54 = tpu.matmul %sub3A_45, %convert_element_type3A_47, %dot_general3A_53 {dimension_numbers = #tpu.dot_dimension_numbers<[1], [0], [0], [1], [0, 0, 1, 1], [], []>, transpose_lhs_hint = false} : vector<896x128xf32>, vector<128x64xf32>, vector<896x64xf32> -> vector<896x64xf32>
    %add3A_55 = arith.addf %dot_general3A_52, %dot_general3A_54 : vector<896x64xf32>
    %add3A_56 = arith.addf %dot_general3A_50, %add3A_55 : vector<896x64xf32>
    %get3A_57 = arith.constant 0 : index
    %get3A_58 = arith.constant 0 : index
    %get3A_59 = vector.load %arg8[%get3A_57, %get3A_58] : memref<1x64xf32, #tpu.memory_space<vmem>>, vector<1x64xf32>
    %add3A_60 = vector.broadcast %get3A_59 : vector<1x64xf32> to vector<896x64xf32>
    %add3A_61 = arith.addf %add3A_56, %add3A_60 : vector<896x64xf32>
    %max3A = arith.constant 0.000000e+00 : f32
    %max3A_62 = vector.broadcast %max3A : f32 to vector<896x64xf32>
    %max3A_63 = arith.maximumf %add3A_61, %max3A_62 : vector<896x64xf32>
    %get3A_64 = arith.constant 0 : index
    %get3A_65 = arith.constant 0 : index
    %get3A_66 = vector.load %arg9[%get3A_64, %get3A_65] : memref<64x64xf32, #tpu.memory_space<vmem>>, vector<64x64xf32>
    %convert_element_type3A_67 = arith.truncf %max3A_63 : vector<896x64xf32> to vector<896x64xbf16>
    %convert_element_type3A_68 = arith.extf %convert_element_type3A_67 : vector<896x64xbf16> to vector<896x64xf32>
    %sub3A_69 = arith.subf %max3A_63, %convert_element_type3A_68 : vector<896x64xf32>
    %convert_element_type3A_70 = arith.truncf %get3A_66 : vector<64x64xf32> to vector<64x64xbf16>
    %convert_element_type3A_71 = arith.extf %convert_element_type3A_70 : vector<64x64xbf16> to vector<64x64xf32>
    %sub3A_72 = arith.subf %get3A_66, %convert_element_type3A_71 : vector<64x64xf32>
    %dot_general3A_73 = arith.constant dense<0.000000e+00> : vector<896x64xf32>
    %dot_general3A_74 = tpu.matmul %convert_element_type3A_68, %convert_element_type3A_71, %dot_general3A_73 {dimension_numbers = #tpu.dot_dimension_numbers<[1], [0], [0], [1], [0, 0, 1, 1], [], []>, transpose_lhs_hint = false} : vector<896x64xf32>, vector<64x64xf32>, vector<896x64xf32> -> vector<896x64xf32>
    %dot_general3A_75 = arith.constant dense<0.000000e+00> : vector<896x64xf32>
    %dot_general3A_76 = tpu.matmul %convert_element_type3A_68, %sub3A_72, %dot_general3A_75 {dimension_numbers = #tpu.dot_dimension_numbers<[1], [0], [0], [1], [0, 0, 1, 1], [], []>, transpose_lhs_hint = false} : vector<896x64xf32>, vector<64x64xf32>, vector<896x64xf32> -> vector<896x64xf32>
    %dot_general3A_77 = arith.constant dense<0.000000e+00> : vector<896x64xf32>
    %dot_general3A_78 = tpu.matmul %sub3A_69, %convert_element_type3A_71, %dot_general3A_77 {dimension_numbers = #tpu.dot_dimension_numbers<[1], [0], [0], [1], [0, 0, 1, 1], [], []>, transpose_lhs_hint = false} : vector<896x64xf32>, vector<64x64xf32>, vector<896x64xf32> -> vector<896x64xf32>
    %add3A_79 = arith.addf %dot_general3A_76, %dot_general3A_78 : vector<896x64xf32>
    %add3A_80 = arith.addf %dot_general3A_74, %add3A_79 : vector<896x64xf32>
    %get3A_81 = arith.constant 0 : index
    %get3A_82 = arith.constant 0 : index
    %get3A_83 = vector.load %arg10[%get3A_81, %get3A_82] : memref<1x64xf32, #tpu.memory_space<vmem>>, vector<1x64xf32>
    %add3A_84 = vector.broadcast %get3A_83 : vector<1x64xf32> to vector<896x64xf32>
    %add3A_85 = arith.addf %add3A_80, %add3A_84 : vector<896x64xf32>
    %max3A_86 = arith.constant 0.000000e+00 : f32
    %max3A_87 = vector.broadcast %max3A_86 : f32 to vector<896x64xf32>
    %max3A_88 = arith.maximumf %add3A_85, %max3A_87 : vector<896x64xf32>
    %get3A_89 = arith.constant 0 : index
    %get3A_90 = arith.constant 0 : index
    %get3A_91 = vector.load %arg11[%get3A_89, %get3A_90] : memref<64x40xf32, #tpu.memory_space<vmem>>, vector<64x40xf32>
    %convert_element_type3A_92 = arith.truncf %max3A_88 : vector<896x64xf32> to vector<896x64xbf16>
    %convert_element_type3A_93 = arith.extf %convert_element_type3A_92 : vector<896x64xbf16> to vector<896x64xf32>
    %sub3A_94 = arith.subf %max3A_88, %convert_element_type3A_93 : vector<896x64xf32>
    %convert_element_type3A_95 = arith.truncf %get3A_91 : vector<64x40xf32> to vector<64x40xbf16>
    %convert_element_type3A_96 = arith.extf %convert_element_type3A_95 : vector<64x40xbf16> to vector<64x40xf32>
    %sub3A_97 = arith.subf %get3A_91, %convert_element_type3A_96 : vector<64x40xf32>
    %dot_general3A_98 = arith.constant dense<0.000000e+00> : vector<896x40xf32>
    %dot_general3A_99 = tpu.matmul %convert_element_type3A_93, %convert_element_type3A_96, %dot_general3A_98 {dimension_numbers = #tpu.dot_dimension_numbers<[1], [0], [0], [1], [0, 0, 1, 1], [], []>, transpose_lhs_hint = false} : vector<896x64xf32>, vector<64x40xf32>, vector<896x40xf32> -> vector<896x40xf32>
    %dot_general3A_100 = arith.constant dense<0.000000e+00> : vector<896x40xf32>
    %dot_general3A_101 = tpu.matmul %convert_element_type3A_93, %sub3A_97, %dot_general3A_100 {dimension_numbers = #tpu.dot_dimension_numbers<[1], [0], [0], [1], [0, 0, 1, 1], [], []>, transpose_lhs_hint = false} : vector<896x64xf32>, vector<64x40xf32>, vector<896x40xf32> -> vector<896x40xf32>
    %dot_general3A_102 = arith.constant dense<0.000000e+00> : vector<896x40xf32>
    %dot_general3A_103 = tpu.matmul %sub3A_94, %convert_element_type3A_96, %dot_general3A_102 {dimension_numbers = #tpu.dot_dimension_numbers<[1], [0], [0], [1], [0, 0, 1, 1], [], []>, transpose_lhs_hint = false} : vector<896x64xf32>, vector<64x40xf32>, vector<896x40xf32> -> vector<896x40xf32>
    %add3A_104 = arith.addf %dot_general3A_101, %dot_general3A_103 : vector<896x40xf32>
    %add3A_105 = arith.addf %dot_general3A_99, %add3A_104 : vector<896x40xf32>
    %get3A_106 = arith.constant 0 : index
    %get3A_107 = arith.constant 0 : index
    %get3A_108 = vector.load %arg12[%get3A_106, %get3A_107] : memref<1x40xf32, #tpu.memory_space<vmem>>, vector<1x40xf32>
    %add3A_109 = vector.broadcast %get3A_108 : vector<1x40xf32> to vector<896x40xf32>
    %add3A_110 = arith.addf %add3A_105, %add3A_109 : vector<896x40xf32>
    %get3A_111 = arith.constant 0 : index
    %get3A_112 = arith.constant 0 : index
    %get3A_113 = vector.load %arg13[%get3A_111, %get3A_112] : memref<896x40xf32, #tpu.memory_space<vmem>>, vector<896x40xf32>
    %mul3A = arith.mulf %get3A_113, %add3A_110 : vector<896x40xf32>
    %tanh3A = math.tanh %mul3A : vector<896x40xf32>
    %swap3A_114 = arith.constant 0 : index
    %swap3A_115 = arith.constant 0 : index
    %swap3A_116 = arith.constant 0 : index
    %swap3A_117 = vector.load %arg15[%swap3A_114, %swap3A_115, %swap3A_116] : memref<1x896x40xf32, #tpu.memory_space<vmem>>, vector<1x896x40xf32>
    %swap3A_118 = vector.shape_cast %swap3A_117 : vector<1x896x40xf32> to vector<896x40xf32>
    %swap3A_119 = vector.shape_cast %tanh3A : vector<896x40xf32> to vector<1x896x40xf32>
    tpu.vector_store %arg15[%swap3A_114, %swap3A_115, %swap3A_116], %swap3A_119 {strides = array<i32>} : memref<1x896x40xf32, #tpu.memory_space<vmem>>, vector<1x896x40xf32>,
    return
  }
  func.func @transform_0(%arg0: i32) -> (i32, i32, i32) {
    %c0_i32 = arith.constant 0 : i32
    %c0_i32_0 = arith.constant 0 : i32
    %c0_i32_1 = arith.constant 0 : i32
    return %arg0, %c0_i32, %c0_i32_0 : i32, i32, i32
  }
  func.func @transform_1(%arg0: i32) -> (i32, i32, i32) {
    %c0_i32 = arith.constant 0 : i32
    %c0_i32_0 = arith.constant 0 : i32
    %c0_i32_1 = arith.constant 0 : i32
    return %arg0, %c0_i32, %c0_i32_0 : i32, i32, i32
  }
  func.func @transform_2(%arg0: i32) -> (i32, i32, i32) {
    %c0_i32 = arith.constant 0 : i32
    %c0_i32_0 = arith.constant 0 : i32
    %c0_i32_1 = arith.constant 0 : i32
    return %arg0, %c0_i32, %c0_i32_0 : i32, i32, i32
  }
  func.func @transform_3(%arg0: i32) -> (i32, i32) {
    %c0_i32 = arith.constant 0 : i32
    %c0_i32_0 = arith.constant 0 : i32
    %c0_i32_1 = arith.constant 0 : i32
    return %c0_i32, %c0_i32_0 : i32, i32
  }
  func.func @transform_4(%arg0: i32) -> (i32, i32) {
    %c0_i32 = arith.constant 0 : i32
    %c0_i32_0 = arith.constant 0 : i32
    %c0_i32_1 = arith.constant 0 : i32
    return %c0_i32, %c0_i32_0 : i32, i32
  }
  func.func @transform_5(%arg0: i32) -> (i32, i32) {
    %c0_i32 = arith.constant 0 : i32
    %c0_i32_0 = arith.constant 0 : i32
    %c0_i32_1 = arith.constant 0 : i32
    return %c0_i32, %c0_i32_0 : i32, i32
  }
  func.func @transform_6(%arg0: i32) -> (i32, i32) {
    %c0_i32 = arith.constant 0 : i32
    %c0_i32_0 = arith.constant 0 : i32
    %c0_i32_1 = arith.constant 0 : i32
    return %c0_i32, %c0_i32_0 : i32, i32
  }
  func.func @transform_7(%arg0: i32) -> (i32, i32) {
    %c0_i32 = arith.constant 0 : i32
    %c0_i32_0 = arith.constant 0 : i32
    %c0_i32_1 = arith.constant 0 : i32
    return %c0_i32, %c0_i32_0 : i32, i32
  }
  func.func @transform_8(%arg0: i32) -> (i32, i32) {
    %c0_i32 = arith.constant 0 : i32
    %c0_i32_0 = arith.constant 0 : i32
    %c0_i32_1 = arith.constant 0 : i32
    return %c0_i32, %c0_i32_0 : i32, i32
  }
  func.func @transform_9(%arg0: i32) -> (i32, i32) {
    %c0_i32 = arith.constant 0 : i32
    %c0_i32_0 = arith.constant 0 : i32
    %c0_i32_1 = arith.constant 0 : i32
    return %c0_i32, %c0_i32_0 : i32, i32
  }
  func.func @transform_10(%arg0: i32) -> (i32, i32) {
    %c0_i32 = arith.constant 0 : i32
    %c0_i32_0 = arith.constant 0 : i32
    %c0_i32_1 = arith.constant 0 : i32
    return %c0_i32, %c0_i32_0 : i32, i32
  }
  func.func @transform_11(%arg0: i32) -> (i32, i32) {
    %c0_i32 = arith.constant 0 : i32
    %c0_i32_0 = arith.constant 0 : i32
    %c0_i32_1 = arith.constant 0 : i32
    return %c0_i32, %c0_i32_0 : i32, i32
  }
  func.func @transform_12(%arg0: i32) -> (i32, i32) {
    %c0_i32 = arith.constant 0 : i32
    %c0_i32_0 = arith.constant 0 : i32
    %c0_i32_1 = arith.constant 0 : i32
    return %c0_i32, %c0_i32_0 : i32, i32
  }
  func.func @transform_13(%arg0: i32) -> (i32, i32, i32) {
    %c0_i32 = arith.constant 0 : i32
    %c0_i32_0 = arith.constant 0 : i32
    %c0_i32_1 = arith.constant 0 : i32
    return %arg0, %c0_i32, %c0_i32_0 : i32, i32, i32
  }
  func.func @transform_14(%arg0: i32) -> (i32, i32, i32) {
    %c0_i32 = arith.constant 0 : i32
    %c0_i32_0 = arith.constant 0 : i32
    %c0_i32_1 = arith.constant 0 : i32
    return %arg0, %c0_i32, %c0_i32_0 : i32, i32, i32
  }
}

module attributes {stable_mosaic.version = 14 : i64} {
  func.func @_fused_body(%arg0: i32, %arg1: i32, %arg2: memref<1x896x40xf32, #tpu.memory_space<vmem>>, %arg3: memref<1x896x128xf32, #tpu.memory_space<vmem>>, %arg4: memref<896x896xf32, #tpu.memory_space<vmem>>, %arg5: memref<128x12xf32, #tpu.memory_space<vmem>>, %arg6: memref<1x12xf32, #tpu.memory_space<vmem>>, %arg7: memref<1x448x12xf32, #tpu.memory_space<vmem>>) attributes {dimension_semantics = [#tpu.dimension_semantics<arbitrary>, #tpu.dimension_semantics<arbitrary>], iteration_bounds = array<i64: 32, 2>, scalar_prefetch = 0 : i64, scratch_operands = 0 : i64, tpu.core_type = #tpu.core_type<tc>, window_params = [{transform_indices = @transform_0, window_bounds = array<i64: 1, 896, 40>}, {transform_indices = @transform_1, window_bounds = array<i64: 1, 896, 128>}, {pipeline_mode = #tpu.pipeline_mode<synchronous>, transform_indices = @transform_2, window_bounds = array<i64: 896, 896>}, {pipeline_mode = #tpu.pipeline_mode<synchronous>, transform_indices = @transform_3, window_bounds = array<i64: 128, 12>}, {pipeline_mode = #tpu.pipeline_mode<synchronous>, transform_indices = @transform_4, window_bounds = array<i64: 1, 12>}, {transform_indices = @transform_5, window_bounds = array<i64: 1, 448, 12>}]} {
    %get3A = arith.constant 0 : index
    %get3A_0 = arith.constant 0 : index
    %get3A_1 = arith.constant 0 : index
    %get3A_2 = vector.load %arg2[%get3A, %get3A_0, %get3A_1] : memref<1x896x40xf32, #tpu.memory_space<vmem>>, vector<1x896x40xf32>
    %get3A_3 = vector.shape_cast %get3A_2 : vector<1x896x40xf32> to vector<896x40xf32>
    %mul3A = arith.constant 448 : i32
    %mul3A_4 = arith.muli %arg1, %mul3A : i32
    %get3A_5 = arith.constant 0 : index
    %get3A_6 = arith.index_cast %mul3A_4 : i32 to index
    %get3A_7 = arith.constant 0 : index
    %get3A_8 = vector.load %arg2[%get3A_5, %get3A_6, %get3A_7] : memref<1x896x40xf32, #tpu.memory_space<vmem>>, vector<1x448x40xf32>
    %get3A_9 = vector.shape_cast %get3A_8 : vector<1x448x40xf32> to vector<448x40xf32>
    %convert_element_type3A = arith.truncf %get3A_3 : vector<896x40xf32> to vector<896x40xbf16>
    %convert_element_type3A_10 = arith.extf %convert_element_type3A : vector<896x40xbf16> to vector<896x40xf32>
    %sub3A = arith.subf %get3A_3, %convert_element_type3A_10 : vector<896x40xf32>
    %convert_element_type3A_11 = arith.truncf %get3A_9 : vector<448x40xf32> to vector<448x40xbf16>
    %convert_element_type3A_12 = arith.extf %convert_element_type3A_11 : vector<448x40xbf16> to vector<448x40xf32>
    %sub3A_13 = arith.subf %get3A_9, %convert_element_type3A_12 : vector<448x40xf32>
    %dot_general3A = arith.constant dense<0.000000e+00> : vector<448x896xf32>
    %dot_general3A_14 = tpu.matmul %convert_element_type3A_12, %convert_element_type3A_10, %dot_general3A {dimension_numbers = #tpu.dot_dimension_numbers<[1], [1], [0], [0], [0, 0, 1, 0], [], []>, transpose_lhs_hint = false} : vector<448x40xf32>, vector<896x40xf32>, vector<448x896xf32> -> vector<448x896xf32>
    %dot_general3A_15 = arith.constant dense<0.000000e+00> : vector<448x896xf32>
    %dot_general3A_16 = tpu.matmul %convert_element_type3A_12, %sub3A, %dot_general3A_15 {dimension_numbers = #tpu.dot_dimension_numbers<[1], [1], [0], [0], [0, 0, 1, 0], [], []>, transpose_lhs_hint = false} : vector<448x40xf32>, vector<896x40xf32>, vector<448x896xf32> -> vector<448x896xf32>
    %dot_general3A_17 = arith.constant dense<0.000000e+00> : vector<448x896xf32>
    %dot_general3A_18 = tpu.matmul %sub3A_13, %convert_element_type3A_10, %dot_general3A_17 {dimension_numbers = #tpu.dot_dimension_numbers<[1], [1], [0], [0], [0, 0, 1, 0], [], []>, transpose_lhs_hint = false} : vector<448x40xf32>, vector<896x40xf32>, vector<448x896xf32> -> vector<448x896xf32>
    %add3A = arith.addf %dot_general3A_16, %dot_general3A_18 : vector<448x896xf32>
    %add3A_19 = arith.addf %dot_general3A_14, %add3A : vector<448x896xf32>
    %tanh3A = math.tanh %add3A_19 : vector<448x896xf32>
    %max3A = arith.constant 0.000000e+00 : f32
    %max3A_20 = vector.broadcast %max3A : f32 to vector<448x896xf32>
    %max3A_21 = arith.maximumf %tanh3A, %max3A_20 : vector<448x896xf32>
    %bitcast_convert_type3A = tpu.bitcast %max3A_21 : vector<448x896xf32> -> vector<448x896xi32>
    %and3A = arith.constant -65536 : i32
    %and3A_22 = vector.broadcast %and3A : i32 to vector<448x896xi32>
    %and3A_23 = arith.andi %bitcast_convert_type3A, %and3A_22 : vector<448x896xi32>
    %bitcast_convert_type3A_24 = tpu.bitcast %and3A_23 : vector<448x896xi32> -> vector<448x896xf32>
    %convert_element_type3A_25 = arith.truncf %bitcast_convert_type3A_24 : vector<448x896xf32> to vector<448x896xbf16>
    %broadcast_in_dim3A = arith.constant 0 : i32
    %broadcast_in_dim3A_26 = vector.broadcast %broadcast_in_dim3A : i32 to vector<448x1xi32>
    %broadcast_in_dim3A_27 = arith.constant 16257 : i32
    %broadcast_in_dim3A_28 = vector.broadcast %broadcast_in_dim3A_27 : i32 to vector<448x1xi32>
    %broadcast_in_dim3A_29 = arith.constant 0.000000e+00 : f32
    %broadcast_in_dim3A_30 = vector.broadcast %broadcast_in_dim3A_29 : f32 to vector<448x1xf32>
    %add3A_31 = arith.addi %broadcast_in_dim3A_26, %broadcast_in_dim3A_28 : vector<448x1xi32>
    %shift_right_arithmetic3A = arith.constant 1 : i32
    %shift_right_arithmetic3A_32 = vector.broadcast %shift_right_arithmetic3A : i32 to vector<448x1xi32>
    %shift_right_arithmetic3A_33 = arith.shrsi %add3A_31, %shift_right_arithmetic3A_32 : vector<448x1xi32>
    %shift_left3A = arith.constant 16 : i32
    %shift_left3A_34 = vector.broadcast %shift_left3A : i32 to vector<448x1xi32>
    %shift_left3A_35 = arith.shli %shift_right_arithmetic3A_33, %shift_left3A_34 : vector<448x1xi32>
    %bitcast_convert_type3A_36 = tpu.bitcast %shift_left3A_35 : vector<448x1xi32> -> vector<448x1xf32>
    %convert_element_type3A_37 = arith.truncf %bitcast_convert_type3A_36 : vector<448x1xf32> to vector<448x1xbf16>
    %ge3A = vector.broadcast %convert_element_type3A_37 : vector<448x1xbf16> to vector<448x896xbf16>
    %ge3A_38 = arith.cmpf oge, %convert_element_type3A_25, %ge3A : vector<448x896xbf16>
    %convert_element_type3A_39 = arith.extui %ge3A_38 : vector<448x896xi1> to vector<448x896xi32>
    %convert_element_type3A_40 = arith.sitofp %convert_element_type3A_39 : vector<448x896xi32> to vector<448x896xf32>
    %reduce_sum3A = arith.constant dense<0.000000e+00> : vector<448xf32>
    %reduce_sum3A_41 = vector.multi_reduction <add>, %convert_element_type3A_40, %reduce_sum3A [1] : vector<448x896xf32> to vector<448xf32>
    %broadcast_in_dim3A_42 = vector.shape_cast %reduce_sum3A_41 : vector<448xf32> to vector<448x1xf32>
    %ge3A_43 = arith.constant 2.000000e+01 : f32
    %ge3A_44 = vector.broadcast %ge3A_43 : f32 to vector<448x1xf32>
    %ge3A_45 = arith.cmpf oge, %broadcast_in_dim3A_42, %ge3A_44 : vector<448x1xf32>
    %select_n3A = arith.select %ge3A_45, %shift_right_arithmetic3A_33, %broadcast_in_dim3A_26 : vector<448x1xi1>, vector<448x1xi32>
    %select_n3A_46 = arith.select %ge3A_45, %broadcast_in_dim3A_28, %shift_right_arithmetic3A_33 : vector<448x1xi1>, vector<448x1xi32>
    %select_n3A_47 = arith.select %ge3A_45, %broadcast_in_dim3A_30, %broadcast_in_dim3A_42 : vector<448x1xi1>, vector<448x1xf32>
    %add3A_48 = arith.addi %select_n3A, %select_n3A_46 : vector<448x1xi32>
    %shift_right_arithmetic3A_49 = arith.constant 1 : i32
    %shift_right_arithmetic3A_50 = vector.broadcast %shift_right_arithmetic3A_49 : i32 to vector<448x1xi32>
    %shift_right_arithmetic3A_51 = arith.shrsi %add3A_48, %shift_right_arithmetic3A_50 : vector<448x1xi32>
    %shift_left3A_52 = arith.constant 16 : i32
    %shift_left3A_53 = vector.broadcast %shift_left3A_52 : i32 to vector<448x1xi32>
    %shift_left3A_54 = arith.shli %shift_right_arithmetic3A_51, %shift_left3A_53 : vector<448x1xi32>
    %bitcast_convert_type3A_55 = tpu.bitcast %shift_left3A_54 : vector<448x1xi32> -> vector<448x1xf32>
    %convert_element_type3A_56 = arith.truncf %bitcast_convert_type3A_55 : vector<448x1xf32> to vector<448x1xbf16>
    %ge3A_57 = vector.broadcast %convert_element_type3A_56 : vector<448x1xbf16> to vector<448x896xbf16>
    %ge3A_58 = arith.cmpf oge, %convert_element_type3A_25, %ge3A_57 : vector<448x896xbf16>
    %convert_element_type3A_59 = arith.extui %ge3A_58 : vector<448x896xi1> to vector<448x896xi32>
    %convert_element_type3A_60 = arith.sitofp %convert_element_type3A_59 : vector<448x896xi32> to vector<448x896xf32>
    %reduce_sum3A_61 = arith.constant dense<0.000000e+00> : vector<448xf32>
    %reduce_sum3A_62 = vector.multi_reduction <add>, %convert_element_type3A_60, %reduce_sum3A_61 [1] : vector<448x896xf32> to vector<448xf32>
    %broadcast_in_dim3A_63 = vector.shape_cast %reduce_sum3A_62 : vector<448xf32> to vector<448x1xf32>
    %ge3A_64 = arith.constant 2.000000e+01 : f32
    %ge3A_65 = vector.broadcast %ge3A_64 : f32 to vector<448x1xf32>
    %ge3A_66 = arith.cmpf oge, %broadcast_in_dim3A_63, %ge3A_65 : vector<448x1xf32>
    %select_n3A_67 = arith.select %ge3A_66, %shift_right_arithmetic3A_51, %select_n3A : vector<448x1xi1>, vector<448x1xi32>
    %select_n3A_68 = arith.select %ge3A_66, %select_n3A_46, %shift_right_arithmetic3A_51 : vector<448x1xi1>, vector<448x1xi32>
    %select_n3A_69 = arith.select %ge3A_66, %select_n3A_47, %broadcast_in_dim3A_63 : vector<448x1xi1>, vector<448x1xf32>
    %add3A_70 = arith.addi %select_n3A_67, %select_n3A_68 : vector<448x1xi32>
    %shift_right_arithmetic3A_71 = arith.constant 1 : i32
    %shift_right_arithmetic3A_72 = vector.broadcast %shift_right_arithmetic3A_71 : i32 to vector<448x1xi32>
    %shift_right_arithmetic3A_73 = arith.shrsi %add3A_70, %shift_right_arithmetic3A_72 : vector<448x1xi32>
    %shift_left3A_74 = arith.constant 16 : i32
    %shift_left3A_75 = vector.broadcast %shift_left3A_74 : i32 to vector<448x1xi32>
    %shift_left3A_76 = arith.shli %shift_right_arithmetic3A_73, %shift_left3A_75 : vector<448x1xi32>
    %bitcast_convert_type3A_77 = tpu.bitcast %shift_left3A_76 : vector<448x1xi32> -> vector<448x1xf32>
    %convert_element_type3A_78 = arith.truncf %bitcast_convert_type3A_77 : vector<448x1xf32> to vector<448x1xbf16>
    %ge3A_79 = vector.broadcast %convert_element_type3A_78 : vector<448x1xbf16> to vector<448x896xbf16>
    %ge3A_80 = arith.cmpf oge, %convert_element_type3A_25, %ge3A_79 : vector<448x896xbf16>
    %convert_element_type3A_81 = arith.extui %ge3A_80 : vector<448x896xi1> to vector<448x896xi32>
    %convert_element_type3A_82 = arith.sitofp %convert_element_type3A_81 : vector<448x896xi32> to vector<448x896xf32>
    %reduce_sum3A_83 = arith.constant dense<0.000000e+00> : vector<448xf32>
    %reduce_sum3A_84 = vector.multi_reduction <add>, %convert_element_type3A_82, %reduce_sum3A_83 [1] : vector<448x896xf32> to vector<448xf32>
    %broadcast_in_dim3A_85 = vector.shape_cast %reduce_sum3A_84 : vector<448xf32> to vector<448x1xf32>
    %ge3A_86 = arith.constant 2.000000e+01 : f32
    %ge3A_87 = vector.broadcast %ge3A_86 : f32 to vector<448x1xf32>
    %ge3A_88 = arith.cmpf oge, %broadcast_in_dim3A_85, %ge3A_87 : vector<448x1xf32>
    %select_n3A_89 = arith.select %ge3A_88, %shift_right_arithmetic3A_73, %select_n3A_67 : vector<448x1xi1>, vector<448x1xi32>
    %select_n3A_90 = arith.select %ge3A_88, %select_n3A_68, %shift_right_arithmetic3A_73 : vector<448x1xi1>, vector<448x1xi32>
    %select_n3A_91 = arith.select %ge3A_88, %select_n3A_69, %broadcast_in_dim3A_85 : vector<448x1xi1>, vector<448x1xf32>
    %add3A_92 = arith.addi %select_n3A_89, %select_n3A_90 : vector<448x1xi32>
    %shift_right_arithmetic3A_93 = arith.constant 1 : i32
    %shift_right_arithmetic3A_94 = vector.broadcast %shift_right_arithmetic3A_93 : i32 to vector<448x1xi32>
    %shift_right_arithmetic3A_95 = arith.shrsi %add3A_92, %shift_right_arithmetic3A_94 : vector<448x1xi32>
    %shift_left3A_96 = arith.constant 16 : i32
    %shift_left3A_97 = vector.broadcast %shift_left3A_96 : i32 to vector<448x1xi32>
    %shift_left3A_98 = arith.shli %shift_right_arithmetic3A_95, %shift_left3A_97 : vector<448x1xi32>
    %bitcast_convert_type3A_99 = tpu.bitcast %shift_left3A_98 : vector<448x1xi32> -> vector<448x1xf32>
    %convert_element_type3A_100 = arith.truncf %bitcast_convert_type3A_99 : vector<448x1xf32> to vector<448x1xbf16>
    %ge3A_101 = vector.broadcast %convert_element_type3A_100 : vector<448x1xbf16> to vector<448x896xbf16>
    %ge3A_102 = arith.cmpf oge, %convert_element_type3A_25, %ge3A_101 : vector<448x896xbf16>
    %convert_element_type3A_103 = arith.extui %ge3A_102 : vector<448x896xi1> to vector<448x896xi32>
    %convert_element_type3A_104 = arith.sitofp %convert_element_type3A_103 : vector<448x896xi32> to vector<448x896xf32>
    %reduce_sum3A_105 = arith.constant dense<0.000000e+00> : vector<448xf32>
    %reduce_sum3A_106 = vector.multi_reduction <add>, %convert_element_type3A_104, %reduce_sum3A_105 [1] : vector<448x896xf32> to vector<448xf32>
    %broadcast_in_dim3A_107 = vector.shape_cast %reduce_sum3A_106 : vector<448xf32> to vector<448x1xf32>
    %ge3A_108 = arith.constant 2.000000e+01 : f32
    %ge3A_109 = vector.broadcast %ge3A_108 : f32 to vector<448x1xf32>
    %ge3A_110 = arith.cmpf oge, %broadcast_in_dim3A_107, %ge3A_109 : vector<448x1xf32>
    %select_n3A_111 = arith.select %ge3A_110, %shift_right_arithmetic3A_95, %select_n3A_89 : vector<448x1xi1>, vector<448x1xi32>
    %select_n3A_112 = arith.select %ge3A_110, %select_n3A_90, %shift_right_arithmetic3A_95 : vector<448x1xi1>, vector<448x1xi32>
    %select_n3A_113 = arith.select %ge3A_110, %select_n3A_91, %broadcast_in_dim3A_107 : vector<448x1xi1>, vector<448x1xf32>
    %add3A_114 = arith.addi %select_n3A_111, %select_n3A_112 : vector<448x1xi32>
    %shift_right_arithmetic3A_115 = arith.constant 1 : i32
    %shift_right_arithmetic3A_116 = vector.broadcast %shift_right_arithmetic3A_115 : i32 to vector<448x1xi32>
    %shift_right_arithmetic3A_117 = arith.shrsi %add3A_114, %shift_right_arithmetic3A_116 : vector<448x1xi32>
    %shift_left3A_118 = arith.constant 16 : i32
    %shift_left3A_119 = vector.broadcast %shift_left3A_118 : i32 to vector<448x1xi32>
    %shift_left3A_120 = arith.shli %shift_right_arithmetic3A_117, %shift_left3A_119 : vector<448x1xi32>
    %bitcast_convert_type3A_121 = tpu.bitcast %shift_left3A_120 : vector<448x1xi32> -> vector<448x1xf32>
    %convert_element_type3A_122 = arith.truncf %bitcast_convert_type3A_121 : vector<448x1xf32> to vector<448x1xbf16>
    %ge3A_123 = vector.broadcast %convert_element_type3A_122 : vector<448x1xbf16> to vector<448x896xbf16>
    %ge3A_124 = arith.cmpf oge, %convert_element_type3A_25, %ge3A_123 : vector<448x896xbf16>
    %convert_element_type3A_125 = arith.extui %ge3A_124 : vector<448x896xi1> to vector<448x896xi32>
    %convert_element_type3A_126 = arith.sitofp %convert_element_type3A_125 : vector<448x896xi32> to vector<448x896xf32>
    %reduce_sum3A_127 = arith.constant dense<0.000000e+00> : vector<448xf32>
    %reduce_sum3A_128 = vector.multi_reduction <add>, %convert_element_type3A_126, %reduce_sum3A_127 [1] : vector<448x896xf32> to vector<448xf32>
    %broadcast_in_dim3A_129 = vector.shape_cast %reduce_sum3A_128 : vector<448xf32> to vector<448x1xf32>
    %ge3A_130 = arith.constant 2.000000e+01 : f32
    %ge3A_131 = vector.broadcast %ge3A_130 : f32 to vector<448x1xf32>
    %ge3A_132 = arith.cmpf oge, %broadcast_in_dim3A_129, %ge3A_131 : vector<448x1xf32>
    %select_n3A_133 = arith.select %ge3A_132, %shift_right_arithmetic3A_117, %select_n3A_111 : vector<448x1xi1>, vector<448x1xi32>
    %select_n3A_134 = arith.select %ge3A_132, %select_n3A_112, %shift_right_arithmetic3A_117 : vector<448x1xi1>, vector<448x1xi32>
    %select_n3A_135 = arith.select %ge3A_132, %select_n3A_113, %broadcast_in_dim3A_129 : vector<448x1xi1>, vector<448x1xf32>
    %add3A_136 = arith.addi %select_n3A_133, %select_n3A_134 : vector<448x1xi32>
    %shift_right_arithmetic3A_137 = arith.constant 1 : i32
    %shift_right_arithmetic3A_138 = vector.broadcast %shift_right_arithmetic3A_137 : i32 to vector<448x1xi32>
    %shift_right_arithmetic3A_139 = arith.shrsi %add3A_136, %shift_right_arithmetic3A_138 : vector<448x1xi32>
    %shift_left3A_140 = arith.constant 16 : i32
    %shift_left3A_141 = vector.broadcast %shift_left3A_140 : i32 to vector<448x1xi32>
    %shift_left3A_142 = arith.shli %shift_right_arithmetic3A_139, %shift_left3A_141 : vector<448x1xi32>
    %bitcast_convert_type3A_143 = tpu.bitcast %shift_left3A_142 : vector<448x1xi32> -> vector<448x1xf32>
    %convert_element_type3A_144 = arith.truncf %bitcast_convert_type3A_143 : vector<448x1xf32> to vector<448x1xbf16>
    %ge3A_145 = vector.broadcast %convert_element_type3A_144 : vector<448x1xbf16> to vector<448x896xbf16>
    %ge3A_146 = arith.cmpf oge, %convert_element_type3A_25, %ge3A_145 : vector<448x896xbf16>
    %convert_element_type3A_147 = arith.extui %ge3A_146 : vector<448x896xi1> to vector<448x896xi32>
    %convert_element_type3A_148 = arith.sitofp %convert_element_type3A_147 : vector<448x896xi32> to vector<448x896xf32>
    %reduce_sum3A_149 = arith.constant dense<0.000000e+00> : vector<448xf32>
    %reduce_sum3A_150 = vector.multi_reduction <add>, %convert_element_type3A_148, %reduce_sum3A_149 [1] : vector<448x896xf32> to vector<448xf32>
    %broadcast_in_dim3A_151 = vector.shape_cast %reduce_sum3A_150 : vector<448xf32> to vector<448x1xf32>
    %ge3A_152 = arith.constant 2.000000e+01 : f32
    %ge3A_153 = vector.broadcast %ge3A_152 : f32 to vector<448x1xf32>
    %ge3A_154 = arith.cmpf oge, %broadcast_in_dim3A_151, %ge3A_153 : vector<448x1xf32>
    %select_n3A_155 = arith.select %ge3A_154, %shift_right_arithmetic3A_139, %select_n3A_133 : vector<448x1xi1>, vector<448x1xi32>
    %select_n3A_156 = arith.select %ge3A_154, %select_n3A_134, %shift_right_arithmetic3A_139 : vector<448x1xi1>, vector<448x1xi32>
    %select_n3A_157 = arith.select %ge3A_154, %select_n3A_135, %broadcast_in_dim3A_151 : vector<448x1xi1>, vector<448x1xf32>
    %add3A_158 = arith.addi %select_n3A_155, %select_n3A_156 : vector<448x1xi32>
    %shift_right_arithmetic3A_159 = arith.constant 1 : i32
    %shift_right_arithmetic3A_160 = vector.broadcast %shift_right_arithmetic3A_159 : i32 to vector<448x1xi32>
    %shift_right_arithmetic3A_161 = arith.shrsi %add3A_158, %shift_right_arithmetic3A_160 : vector<448x1xi32>
    %shift_left3A_162 = arith.constant 16 : i32
    %shift_left3A_163 = vector.broadcast %shift_left3A_162 : i32 to vector<448x1xi32>
    %shift_left3A_164 = arith.shli %shift_right_arithmetic3A_161, %shift_left3A_163 : vector<448x1xi32>
    %bitcast_convert_type3A_165 = tpu.bitcast %shift_left3A_164 : vector<448x1xi32> -> vector<448x1xf32>
    %convert_element_type3A_166 = arith.truncf %bitcast_convert_type3A_165 : vector<448x1xf32> to vector<448x1xbf16>
    %ge3A_167 = vector.broadcast %convert_element_type3A_166 : vector<448x1xbf16> to vector<448x896xbf16>
    %ge3A_168 = arith.cmpf oge, %convert_element_type3A_25, %ge3A_167 : vector<448x896xbf16>
    %convert_element_type3A_169 = arith.extui %ge3A_168 : vector<448x896xi1> to vector<448x896xi32>
    %convert_element_type3A_170 = arith.sitofp %convert_element_type3A_169 : vector<448x896xi32> to vector<448x896xf32>
    %reduce_sum3A_171 = arith.constant dense<0.000000e+00> : vector<448xf32>
    %reduce_sum3A_172 = vector.multi_reduction <add>, %convert_element_type3A_170, %reduce_sum3A_171 [1] : vector<448x896xf32> to vector<448xf32>
    %broadcast_in_dim3A_173 = vector.shape_cast %reduce_sum3A_172 : vector<448xf32> to vector<448x1xf32>
    %ge3A_174 = arith.constant 2.000000e+01 : f32
    %ge3A_175 = vector.broadcast %ge3A_174 : f32 to vector<448x1xf32>
    %ge3A_176 = arith.cmpf oge, %broadcast_in_dim3A_173, %ge3A_175 : vector<448x1xf32>
    %select_n3A_177 = arith.select %ge3A_176, %shift_right_arithmetic3A_161, %select_n3A_155 : vector<448x1xi1>, vector<448x1xi32>
    %select_n3A_178 = arith.select %ge3A_176, %select_n3A_156, %shift_right_arithmetic3A_161 : vector<448x1xi1>, vector<448x1xi32>
    %select_n3A_179 = arith.select %ge3A_176, %select_n3A_157, %broadcast_in_dim3A_173 : vector<448x1xi1>, vector<448x1xf32>
    %add3A_180 = arith.addi %select_n3A_177, %select_n3A_178 : vector<448x1xi32>
    %shift_right_arithmetic3A_181 = arith.constant 1 : i32
    %shift_right_arithmetic3A_182 = vector.broadcast %shift_right_arithmetic3A_181 : i32 to vector<448x1xi32>
    %shift_right_arithmetic3A_183 = arith.shrsi %add3A_180, %shift_right_arithmetic3A_182 : vector<448x1xi32>
    %shift_left3A_184 = arith.constant 16 : i32
    %shift_left3A_185 = vector.broadcast %shift_left3A_184 : i32 to vector<448x1xi32>
    %shift_left3A_186 = arith.shli %shift_right_arithmetic3A_183, %shift_left3A_185 : vector<448x1xi32>
    %bitcast_convert_type3A_187 = tpu.bitcast %shift_left3A_186 : vector<448x1xi32> -> vector<448x1xf32>
    %convert_element_type3A_188 = arith.truncf %bitcast_convert_type3A_187 : vector<448x1xf32> to vector<448x1xbf16>
    %ge3A_189 = vector.broadcast %convert_element_type3A_188 : vector<448x1xbf16> to vector<448x896xbf16>
    %ge3A_190 = arith.cmpf oge, %convert_element_type3A_25, %ge3A_189 : vector<448x896xbf16>
    %convert_element_type3A_191 = arith.extui %ge3A_190 : vector<448x896xi1> to vector<448x896xi32>
    %convert_element_type3A_192 = arith.sitofp %convert_element_type3A_191 : vector<448x896xi32> to vector<448x896xf32>
    %reduce_sum3A_193 = arith.constant dense<0.000000e+00> : vector<448xf32>
    %reduce_sum3A_194 = vector.multi_reduction <add>, %convert_element_type3A_192, %reduce_sum3A_193 [1] : vector<448x896xf32> to vector<448xf32>
    %broadcast_in_dim3A_195 = vector.shape_cast %reduce_sum3A_194 : vector<448xf32> to vector<448x1xf32>
    %ge3A_196 = arith.constant 2.000000e+01 : f32
    %ge3A_197 = vector.broadcast %ge3A_196 : f32 to vector<448x1xf32>
    %ge3A_198 = arith.cmpf oge, %broadcast_in_dim3A_195, %ge3A_197 : vector<448x1xf32>
    %select_n3A_199 = arith.select %ge3A_198, %shift_right_arithmetic3A_183, %select_n3A_177 : vector<448x1xi1>, vector<448x1xi32>
    %select_n3A_200 = arith.select %ge3A_198, %select_n3A_178, %shift_right_arithmetic3A_183 : vector<448x1xi1>, vector<448x1xi32>
    %select_n3A_201 = arith.select %ge3A_198, %select_n3A_179, %broadcast_in_dim3A_195 : vector<448x1xi1>, vector<448x1xf32>
    %add3A_202 = arith.addi %select_n3A_199, %select_n3A_200 : vector<448x1xi32>
    %shift_right_arithmetic3A_203 = arith.constant 1 : i32
    %shift_right_arithmetic3A_204 = vector.broadcast %shift_right_arithmetic3A_203 : i32 to vector<448x1xi32>
    %shift_right_arithmetic3A_205 = arith.shrsi %add3A_202, %shift_right_arithmetic3A_204 : vector<448x1xi32>
    %shift_left3A_206 = arith.constant 16 : i32
    %shift_left3A_207 = vector.broadcast %shift_left3A_206 : i32 to vector<448x1xi32>
    %shift_left3A_208 = arith.shli %shift_right_arithmetic3A_205, %shift_left3A_207 : vector<448x1xi32>
    %bitcast_convert_type3A_209 = tpu.bitcast %shift_left3A_208 : vector<448x1xi32> -> vector<448x1xf32>
    %convert_element_type3A_210 = arith.truncf %bitcast_convert_type3A_209 : vector<448x1xf32> to vector<448x1xbf16>
    %ge3A_211 = vector.broadcast %convert_element_type3A_210 : vector<448x1xbf16> to vector<448x896xbf16>
    %ge3A_212 = arith.cmpf oge, %convert_element_type3A_25, %ge3A_211 : vector<448x896xbf16>
    %convert_element_type3A_213 = arith.extui %ge3A_212 : vector<448x896xi1> to vector<448x896xi32>
    %convert_element_type3A_214 = arith.sitofp %convert_element_type3A_213 : vector<448x896xi32> to vector<448x896xf32>
    %reduce_sum3A_215 = arith.constant dense<0.000000e+00> : vector<448xf32>
    %reduce_sum3A_216 = vector.multi_reduction <add>, %convert_element_type3A_214, %reduce_sum3A_215 [1] : vector<448x896xf32> to vector<448xf32>
    %broadcast_in_dim3A_217 = vector.shape_cast %reduce_sum3A_216 : vector<448xf32> to vector<448x1xf32>
    %ge3A_218 = arith.constant 2.000000e+01 : f32
    %ge3A_219 = vector.broadcast %ge3A_218 : f32 to vector<448x1xf32>
    %ge3A_220 = arith.cmpf oge, %broadcast_in_dim3A_217, %ge3A_219 : vector<448x1xf32>
    %select_n3A_221 = arith.select %ge3A_220, %shift_right_arithmetic3A_205, %select_n3A_199 : vector<448x1xi1>, vector<448x1xi32>
    %select_n3A_222 = arith.select %ge3A_220, %select_n3A_200, %shift_right_arithmetic3A_205 : vector<448x1xi1>, vector<448x1xi32>
    %select_n3A_223 = arith.select %ge3A_220, %select_n3A_201, %broadcast_in_dim3A_217 : vector<448x1xi1>, vector<448x1xf32>
    %add3A_224 = arith.addi %select_n3A_221, %select_n3A_222 : vector<448x1xi32>
    %shift_right_arithmetic3A_225 = arith.constant 1 : i32
    %shift_right_arithmetic3A_226 = vector.broadcast %shift_right_arithmetic3A_225 : i32 to vector<448x1xi32>
    %shift_right_arithmetic3A_227 = arith.shrsi %add3A_224, %shift_right_arithmetic3A_226 : vector<448x1xi32>
    %shift_left3A_228 = arith.constant 16 : i32
    %shift_left3A_229 = vector.broadcast %shift_left3A_228 : i32 to vector<448x1xi32>
    %shift_left3A_230 = arith.shli %shift_right_arithmetic3A_227, %shift_left3A_229 : vector<448x1xi32>
    %bitcast_convert_type3A_231 = tpu.bitcast %shift_left3A_230 : vector<448x1xi32> -> vector<448x1xf32>
    %convert_element_type3A_232 = arith.truncf %bitcast_convert_type3A_231 : vector<448x1xf32> to vector<448x1xbf16>
    %ge3A_233 = vector.broadcast %convert_element_type3A_232 : vector<448x1xbf16> to vector<448x896xbf16>
    %ge3A_234 = arith.cmpf oge, %convert_element_type3A_25, %ge3A_233 : vector<448x896xbf16>
    %convert_element_type3A_235 = arith.extui %ge3A_234 : vector<448x896xi1> to vector<448x896xi32>
    %convert_element_type3A_236 = arith.sitofp %convert_element_type3A_235 : vector<448x896xi32> to vector<448x896xf32>
    %reduce_sum3A_237 = arith.constant dense<0.000000e+00> : vector<448xf32>
    %reduce_sum3A_238 = vector.multi_reduction <add>, %convert_element_type3A_236, %reduce_sum3A_237 [1] : vector<448x896xf32> to vector<448xf32>
    %broadcast_in_dim3A_239 = vector.shape_cast %reduce_sum3A_238 : vector<448xf32> to vector<448x1xf32>
    %ge3A_240 = arith.constant 2.000000e+01 : f32
    %ge3A_241 = vector.broadcast %ge3A_240 : f32 to vector<448x1xf32>
    %ge3A_242 = arith.cmpf oge, %broadcast_in_dim3A_239, %ge3A_241 : vector<448x1xf32>
    %select_n3A_243 = arith.select %ge3A_242, %shift_right_arithmetic3A_227, %select_n3A_221 : vector<448x1xi1>, vector<448x1xi32>
    %select_n3A_244 = arith.select %ge3A_242, %select_n3A_222, %shift_right_arithmetic3A_227 : vector<448x1xi1>, vector<448x1xi32>
    %select_n3A_245 = arith.select %ge3A_242, %select_n3A_223, %broadcast_in_dim3A_239 : vector<448x1xi1>, vector<448x1xf32>
    %add3A_246 = arith.addi %select_n3A_243, %select_n3A_244 : vector<448x1xi32>
    %shift_right_arithmetic3A_247 = arith.constant 1 : i32
    %shift_right_arithmetic3A_248 = vector.broadcast %shift_right_arithmetic3A_247 : i32 to vector<448x1xi32>
    %shift_right_arithmetic3A_249 = arith.shrsi %add3A_246, %shift_right_arithmetic3A_248 : vector<448x1xi32>
    %shift_left3A_250 = arith.constant 16 : i32
    %shift_left3A_251 = vector.broadcast %shift_left3A_250 : i32 to vector<448x1xi32>
    %shift_left3A_252 = arith.shli %shift_right_arithmetic3A_249, %shift_left3A_251 : vector<448x1xi32>
    %bitcast_convert_type3A_253 = tpu.bitcast %shift_left3A_252 : vector<448x1xi32> -> vector<448x1xf32>
    %convert_element_type3A_254 = arith.truncf %bitcast_convert_type3A_253 : vector<448x1xf32> to vector<448x1xbf16>
    %ge3A_255 = vector.broadcast %convert_element_type3A_254 : vector<448x1xbf16> to vector<448x896xbf16>
    %ge3A_256 = arith.cmpf oge, %convert_element_type3A_25, %ge3A_255 : vector<448x896xbf16>
    %convert_element_type3A_257 = arith.extui %ge3A_256 : vector<448x896xi1> to vector<448x896xi32>
    %convert_element_type3A_258 = arith.sitofp %convert_element_type3A_257 : vector<448x896xi32> to vector<448x896xf32>
    %reduce_sum3A_259 = arith.constant dense<0.000000e+00> : vector<448xf32>
    %reduce_sum3A_260 = vector.multi_reduction <add>, %convert_element_type3A_258, %reduce_sum3A_259 [1] : vector<448x896xf32> to vector<448xf32>
    %broadcast_in_dim3A_261 = vector.shape_cast %reduce_sum3A_260 : vector<448xf32> to vector<448x1xf32>
    %ge3A_262 = arith.constant 2.000000e+01 : f32
    %ge3A_263 = vector.broadcast %ge3A_262 : f32 to vector<448x1xf32>
    %ge3A_264 = arith.cmpf oge, %broadcast_in_dim3A_261, %ge3A_263 : vector<448x1xf32>
    %select_n3A_265 = arith.select %ge3A_264, %shift_right_arithmetic3A_249, %select_n3A_243 : vector<448x1xi1>, vector<448x1xi32>
    %select_n3A_266 = arith.select %ge3A_264, %select_n3A_244, %shift_right_arithmetic3A_249 : vector<448x1xi1>, vector<448x1xi32>
    %select_n3A_267 = arith.select %ge3A_264, %select_n3A_245, %broadcast_in_dim3A_261 : vector<448x1xi1>, vector<448x1xf32>
    %add3A_268 = arith.addi %select_n3A_265, %select_n3A_266 : vector<448x1xi32>
    %shift_right_arithmetic3A_269 = arith.constant 1 : i32
    %shift_right_arithmetic3A_270 = vector.broadcast %shift_right_arithmetic3A_269 : i32 to vector<448x1xi32>
    %shift_right_arithmetic3A_271 = arith.shrsi %add3A_268, %shift_right_arithmetic3A_270 : vector<448x1xi32>
    %shift_left3A_272 = arith.constant 16 : i32
    %shift_left3A_273 = vector.broadcast %shift_left3A_272 : i32 to vector<448x1xi32>
    %shift_left3A_274 = arith.shli %shift_right_arithmetic3A_271, %shift_left3A_273 : vector<448x1xi32>
    %bitcast_convert_type3A_275 = tpu.bitcast %shift_left3A_274 : vector<448x1xi32> -> vector<448x1xf32>
    %convert_element_type3A_276 = arith.truncf %bitcast_convert_type3A_275 : vector<448x1xf32> to vector<448x1xbf16>
    %ge3A_277 = vector.broadcast %convert_element_type3A_276 : vector<448x1xbf16> to vector<448x896xbf16>
    %ge3A_278 = arith.cmpf oge, %convert_element_type3A_25, %ge3A_277 : vector<448x896xbf16>
    %convert_element_type3A_279 = arith.extui %ge3A_278 : vector<448x896xi1> to vector<448x896xi32>
    %convert_element_type3A_280 = arith.sitofp %convert_element_type3A_279 : vector<448x896xi32> to vector<448x896xf32>
    %reduce_sum3A_281 = arith.constant dense<0.000000e+00> : vector<448xf32>
    %reduce_sum3A_282 = vector.multi_reduction <add>, %convert_element_type3A_280, %reduce_sum3A_281 [1] : vector<448x896xf32> to vector<448xf32>
    %broadcast_in_dim3A_283 = vector.shape_cast %reduce_sum3A_282 : vector<448xf32> to vector<448x1xf32>
    %ge3A_284 = arith.constant 2.000000e+01 : f32
    %ge3A_285 = vector.broadcast %ge3A_284 : f32 to vector<448x1xf32>
    %ge3A_286 = arith.cmpf oge, %broadcast_in_dim3A_283, %ge3A_285 : vector<448x1xf32>
    %select_n3A_287 = arith.select %ge3A_286, %shift_right_arithmetic3A_271, %select_n3A_265 : vector<448x1xi1>, vector<448x1xi32>
    %select_n3A_288 = arith.select %ge3A_286, %select_n3A_266, %shift_right_arithmetic3A_271 : vector<448x1xi1>, vector<448x1xi32>
    %select_n3A_289 = arith.select %ge3A_286, %select_n3A_267, %broadcast_in_dim3A_283 : vector<448x1xi1>, vector<448x1xf32>
    %add3A_290 = arith.addi %select_n3A_287, %select_n3A_288 : vector<448x1xi32>
    %shift_right_arithmetic3A_291 = arith.constant 1 : i32
    %shift_right_arithmetic3A_292 = vector.broadcast %shift_right_arithmetic3A_291 : i32 to vector<448x1xi32>
    %shift_right_arithmetic3A_293 = arith.shrsi %add3A_290, %shift_right_arithmetic3A_292 : vector<448x1xi32>
    %shift_left3A_294 = arith.constant 16 : i32
    %shift_left3A_295 = vector.broadcast %shift_left3A_294 : i32 to vector<448x1xi32>
    %shift_left3A_296 = arith.shli %shift_right_arithmetic3A_293, %shift_left3A_295 : vector<448x1xi32>
    %bitcast_convert_type3A_297 = tpu.bitcast %shift_left3A_296 : vector<448x1xi32> -> vector<448x1xf32>
    %convert_element_type3A_298 = arith.truncf %bitcast_convert_type3A_297 : vector<448x1xf32> to vector<448x1xbf16>
    %ge3A_299 = vector.broadcast %convert_element_type3A_298 : vector<448x1xbf16> to vector<448x896xbf16>
    %ge3A_300 = arith.cmpf oge, %convert_element_type3A_25, %ge3A_299 : vector<448x896xbf16>
    %convert_element_type3A_301 = arith.extui %ge3A_300 : vector<448x896xi1> to vector<448x896xi32>
    %convert_element_type3A_302 = arith.sitofp %convert_element_type3A_301 : vector<448x896xi32> to vector<448x896xf32>
    %reduce_sum3A_303 = arith.constant dense<0.000000e+00> : vector<448xf32>
    %reduce_sum3A_304 = vector.multi_reduction <add>, %convert_element_type3A_302, %reduce_sum3A_303 [1] : vector<448x896xf32> to vector<448xf32>
    %broadcast_in_dim3A_305 = vector.shape_cast %reduce_sum3A_304 : vector<448xf32> to vector<448x1xf32>
    %ge3A_306 = arith.constant 2.000000e+01 : f32
    %ge3A_307 = vector.broadcast %ge3A_306 : f32 to vector<448x1xf32>
    %ge3A_308 = arith.cmpf oge, %broadcast_in_dim3A_305, %ge3A_307 : vector<448x1xf32>
    %select_n3A_309 = arith.select %ge3A_308, %shift_right_arithmetic3A_293, %select_n3A_287 : vector<448x1xi1>, vector<448x1xi32>
    %select_n3A_310 = arith.select %ge3A_308, %select_n3A_288, %shift_right_arithmetic3A_293 : vector<448x1xi1>, vector<448x1xi32>
    %select_n3A_311 = arith.select %ge3A_308, %select_n3A_289, %broadcast_in_dim3A_305 : vector<448x1xi1>, vector<448x1xf32>
    %add3A_312 = arith.addi %select_n3A_309, %select_n3A_310 : vector<448x1xi32>
    %shift_right_arithmetic3A_313 = arith.constant 1 : i32
    %shift_right_arithmetic3A_314 = vector.broadcast %shift_right_arithmetic3A_313 : i32 to vector<448x1xi32>
    %shift_right_arithmetic3A_315 = arith.shrsi %add3A_312, %shift_right_arithmetic3A_314 : vector<448x1xi32>
    %shift_left3A_316 = arith.constant 16 : i32
    %shift_left3A_317 = vector.broadcast %shift_left3A_316 : i32 to vector<448x1xi32>
    %shift_left3A_318 = arith.shli %shift_right_arithmetic3A_315, %shift_left3A_317 : vector<448x1xi32>
    %bitcast_convert_type3A_319 = tpu.bitcast %shift_left3A_318 : vector<448x1xi32> -> vector<448x1xf32>
    %convert_element_type3A_320 = arith.truncf %bitcast_convert_type3A_319 : vector<448x1xf32> to vector<448x1xbf16>
    %ge3A_321 = vector.broadcast %convert_element_type3A_320 : vector<448x1xbf16> to vector<448x896xbf16>
    %ge3A_322 = arith.cmpf oge, %convert_element_type3A_25, %ge3A_321 : vector<448x896xbf16>
    %convert_element_type3A_323 = arith.extui %ge3A_322 : vector<448x896xi1> to vector<448x896xi32>
    %convert_element_type3A_324 = arith.sitofp %convert_element_type3A_323 : vector<448x896xi32> to vector<448x896xf32>
    %reduce_sum3A_325 = arith.constant dense<0.000000e+00> : vector<448xf32>
    %reduce_sum3A_326 = vector.multi_reduction <add>, %convert_element_type3A_324, %reduce_sum3A_325 [1] : vector<448x896xf32> to vector<448xf32>
    %broadcast_in_dim3A_327 = vector.shape_cast %reduce_sum3A_326 : vector<448xf32> to vector<448x1xf32>
    %ge3A_328 = arith.constant 2.000000e+01 : f32
    %ge3A_329 = vector.broadcast %ge3A_328 : f32 to vector<448x1xf32>
    %ge3A_330 = arith.cmpf oge, %broadcast_in_dim3A_327, %ge3A_329 : vector<448x1xf32>
    %select_n3A_331 = arith.select %ge3A_330, %shift_right_arithmetic3A_315, %select_n3A_309 : vector<448x1xi1>, vector<448x1xi32>
    %select_n3A_332 = arith.select %ge3A_330, %select_n3A_311, %broadcast_in_dim3A_327 : vector<448x1xi1>, vector<448x1xf32>
    %shift_left3A_333 = arith.constant 16 : i32
    %shift_left3A_334 = vector.broadcast %shift_left3A_333 : i32 to vector<448x1xi32>
    %shift_left3A_335 = arith.shli %select_n3A_331, %shift_left3A_334 : vector<448x1xi32>
    %bitcast_convert_type3A_336 = tpu.bitcast %shift_left3A_335 : vector<448x1xi32> -> vector<448x1xf32>
    %eq3A = vector.broadcast %bitcast_convert_type3A_336 : vector<448x1xf32> to vector<448x896xf32>
    %eq3A_337 = arith.cmpf oeq, %bitcast_convert_type3A_24, %eq3A : vector<448x896xf32>
    %jit3A = arith.constant -1.000000e+00 : f32
    %broadcast_in_dim3A_338 = vector.broadcast %jit3A : f32 to vector<448x896xf32>
    %select_n3A_339 = arith.select %eq3A_337, %max3A_21, %broadcast_in_dim3A_338 : vector<448x896xi1>, vector<448x896xf32>
    %sub3A_340 = arith.constant 2.000000e+01 : f32
    %sub3A_341 = vector.broadcast %sub3A_340 : f32 to vector<448x1xf32>
    %sub3A_342 = arith.subf %sub3A_341, %select_n3A_332 : vector<448x1xf32>
    %broadcast_in_dim3A_343 = arith.constant 2.000000e+00 : f32
    %broadcast_in_dim3A_344 = vector.broadcast %broadcast_in_dim3A_343 : f32 to vector<448x1xf32>
    %reduce_max3A = arith.constant dense<0xFF800000> : vector<448xf32>
    %reduce_max3A_345 = vector.multi_reduction <maximumf>, %select_n3A_339, %reduce_max3A [1] : vector<448x896xf32> to vector<448xf32>
    %broadcast_in_dim3A_346 = vector.shape_cast %reduce_max3A_345 : vector<448xf32> to vector<448x1xf32>
    %eq3A_347 = vector.broadcast %broadcast_in_dim3A_346 : vector<448x1xf32> to vector<448x896xf32>
    %eq3A_348 = arith.cmpf oeq, %select_n3A_339, %eq3A_347 : vector<448x896xf32>
    %convert_element_type3A_349 = arith.extui %eq3A_348 : vector<448x896xi1> to vector<448x896xi32>
    %convert_element_type3A_350 = arith.sitofp %convert_element_type3A_349 : vector<448x896xi32> to vector<448x896xf32>
    %reduce_sum3A_351 = arith.constant dense<0.000000e+00> : vector<448xf32>
    %reduce_sum3A_352 = vector.multi_reduction <add>, %convert_element_type3A_350, %reduce_sum3A_351 [1] : vector<448x896xf32> to vector<448xf32>
    %broadcast_in_dim3A_353 = vector.shape_cast %reduce_sum3A_352 : vector<448xf32> to vector<448x1xf32>
    %gt3A = arith.constant 0.000000e+00 : f32
    %gt3A_354 = vector.broadcast %gt3A : f32 to vector<448x1xf32>
    %gt3A_355 = arith.cmpf ogt, %sub3A_342, %gt3A_354 : vector<448x1xf32>
    %select_n3A_356 = arith.select %gt3A_355, %broadcast_in_dim3A_346, %broadcast_in_dim3A_344 : vector<448x1xi1>, vector<448x1xf32>
    %jit3A_357 = arith.constant 0.000000e+00 : f32
    %broadcast_in_dim3A_358 = vector.broadcast %jit3A_357 : f32 to vector<448x1xf32>
    %select_n3A_359 = arith.select %gt3A_355, %broadcast_in_dim3A_353, %broadcast_in_dim3A_358 : vector<448x1xi1>, vector<448x1xf32>
    %sub3A_360 = arith.subf %sub3A_342, %select_n3A_359 : vector<448x1xf32>
    %jit3A_361 = arith.constant -1.000000e+00 : f32
    %broadcast_in_dim3A_362 = vector.broadcast %jit3A_361 : f32 to vector<448x896xf32>
    %select_n3A_363 = arith.select %eq3A_348, %broadcast_in_dim3A_362, %select_n3A_339 : vector<448x896xi1>, vector<448x896xf32>
    %reduce_max3A_364 = arith.constant dense<0xFF800000> : vector<448xf32>
    %reduce_max3A_365 = vector.multi_reduction <maximumf>, %select_n3A_363, %reduce_max3A_364 [1] : vector<448x896xf32> to vector<448xf32>
    %broadcast_in_dim3A_366 = vector.shape_cast %reduce_max3A_365 : vector<448xf32> to vector<448x1xf32>
    %eq3A_367 = vector.broadcast %broadcast_in_dim3A_366 : vector<448x1xf32> to vector<448x896xf32>
    %eq3A_368 = arith.cmpf oeq, %select_n3A_363, %eq3A_367 : vector<448x896xf32>
    %convert_element_type3A_369 = arith.extui %eq3A_368 : vector<448x896xi1> to vector<448x896xi32>
    %convert_element_type3A_370 = arith.sitofp %convert_element_type3A_369 : vector<448x896xi32> to vector<448x896xf32>
    %reduce_sum3A_371 = arith.constant dense<0.000000e+00> : vector<448xf32>
    %reduce_sum3A_372 = vector.multi_reduction <add>, %convert_element_type3A_370, %reduce_sum3A_371 [1] : vector<448x896xf32> to vector<448xf32>
    %broadcast_in_dim3A_373 = vector.shape_cast %reduce_sum3A_372 : vector<448xf32> to vector<448x1xf32>
    %gt3A_374 = arith.constant 0.000000e+00 : f32
    %gt3A_375 = vector.broadcast %gt3A_374 : f32 to vector<448x1xf32>
    %gt3A_376 = arith.cmpf ogt, %sub3A_360, %gt3A_375 : vector<448x1xf32>
    %select_n3A_377 = arith.select %gt3A_376, %broadcast_in_dim3A_366, %select_n3A_356 : vector<448x1xi1>, vector<448x1xf32>
    %jit3A_378 = arith.constant 0.000000e+00 : f32
    %broadcast_in_dim3A_379 = vector.broadcast %jit3A_378 : f32 to vector<448x1xf32>
    %select_n3A_380 = arith.select %gt3A_376, %broadcast_in_dim3A_373, %broadcast_in_dim3A_379 : vector<448x1xi1>, vector<448x1xf32>
    %sub3A_381 = arith.subf %sub3A_360, %select_n3A_380 : vector<448x1xf32>
    %jit3A_382 = arith.constant -1.000000e+00 : f32
    %broadcast_in_dim3A_383 = vector.broadcast %jit3A_382 : f32 to vector<448x896xf32>
    %select_n3A_384 = arith.select %eq3A_368, %broadcast_in_dim3A_383, %select_n3A_363 : vector<448x896xi1>, vector<448x896xf32>
    %while3A:3 = scf.while (%while3A_431 = %select_n3A_384, %while3A_432 = %sub3A_381, %while3A_433 = %select_n3A_377) : (vector<448x896xf32>, vector<448x1xf32>, vector<448x1xf32>) -> (vector<448x896xf32>, vector<448x1xf32>, vector<448x1xf32>) {
      %gt3A_434 = arith.constant 0.000000e+00 : f32
      %gt3A_435 = vector.broadcast %gt3A_434 : f32 to vector<448x1xf32>
      %gt3A_436 = arith.cmpf ogt, %while3A_432, %gt3A_435 : vector<448x1xf32>
      %reduce_or3A = arith.constant 1.000000e+00 : f32
      %reduce_or3A_437 = arith.constant 0.000000e+00 : f32
      %reduce_or3A_438 = vector.broadcast %reduce_or3A : f32 to vector<448x1xf32>
      %reduce_or3A_439 = vector.broadcast %reduce_or3A_437 : f32 to vector<448x1xf32>
      %reduce_or3A_440 = arith.select %gt3A_436, %reduce_or3A_438, %reduce_or3A_439 : vector<448x1xi1>, vector<448x1xf32>
      %reduce_or3A_441 = vector.shape_cast %reduce_or3A_440 : vector<448x1xf32> to vector<1x448x1xf32>
      %reduce_or3A_442 = arith.constant dense<0xFF800000> : vector<1xf32>
      %reduce_or3A_443 = vector.multi_reduction <maximumf>, %reduce_or3A_441, %reduce_or3A_442 [1, 2] : vector<1x448x1xf32> to vector<1xf32>
      %reduce_or3A_444 = vector.shape_cast %reduce_or3A_443 : vector<1xf32> to vector<1x1x1xf32>
      %reduce_or3A_445 = vector.extract %reduce_or3A_444[0, 0, 0] : f32 from vector<1x1x1xf32>
      %reduce_or3A_446 = arith.constant 0.000000e+00 : f32
      %reduce_or3A_447 = arith.cmpf ogt, %reduce_or3A_445, %reduce_or3A_446 : f32
      scf.condition(%reduce_or3A_447) %while3A_431, %while3A_432, %while3A_433 : vector<448x896xf32>, vector<448x1xf32>, vector<448x1xf32>
    } do {
    ^bb0(%while3A_431: vector<448x896xf32>, %while3A_432: vector<448x1xf32>, %while3A_433: vector<448x1xf32>):
      %reduce_max3A_434 = arith.constant dense<0xFF800000> : vector<448xf32>
      %reduce_max3A_435 = vector.multi_reduction <maximumf>, %while3A_431, %reduce_max3A_434 [1] : vector<448x896xf32> to vector<448xf32>
      %broadcast_in_dim3A_436 = vector.shape_cast %reduce_max3A_435 : vector<448xf32> to vector<448x1xf32>
      %eq3A_437 = vector.broadcast %broadcast_in_dim3A_436 : vector<448x1xf32> to vector<448x896xf32>
      %eq3A_438 = arith.cmpf oeq, %while3A_431, %eq3A_437 : vector<448x896xf32>
      %convert_element_type3A_439 = arith.extui %eq3A_438 : vector<448x896xi1> to vector<448x896xi32>
      %convert_element_type3A_440 = arith.sitofp %convert_element_type3A_439 : vector<448x896xi32> to vector<448x896xf32>
      %reduce_sum3A_441 = arith.constant dense<0.000000e+00> : vector<448xf32>
      %reduce_sum3A_442 = vector.multi_reduction <add>, %convert_element_type3A_440, %reduce_sum3A_441 [1] : vector<448x896xf32> to vector<448xf32>
      %broadcast_in_dim3A_443 = vector.shape_cast %reduce_sum3A_442 : vector<448xf32> to vector<448x1xf32>
      %gt3A_444 = arith.constant 0.000000e+00 : f32
      %gt3A_445 = vector.broadcast %gt3A_444 : f32 to vector<448x1xf32>
      %gt3A_446 = arith.cmpf ogt, %while3A_432, %gt3A_445 : vector<448x1xf32>
      %select_n3A_447 = arith.select %gt3A_446, %broadcast_in_dim3A_436, %while3A_433 : vector<448x1xi1>, vector<448x1xf32>
      %jit3A_448 = arith.constant 0.000000e+00 : f32
      %broadcast_in_dim3A_449 = vector.broadcast %jit3A_448 : f32 to vector<448x1xf32>
      %select_n3A_450 = arith.select %gt3A_446, %broadcast_in_dim3A_443, %broadcast_in_dim3A_449 : vector<448x1xi1>, vector<448x1xf32>
      %sub3A_451 = arith.subf %while3A_432, %select_n3A_450 : vector<448x1xf32>
      %jit3A_452 = arith.constant -1.000000e+00 : f32
      %broadcast_in_dim3A_453 = vector.broadcast %jit3A_452 : f32 to vector<448x896xf32>
      %select_n3A_454 = arith.select %eq3A_438, %broadcast_in_dim3A_453, %while3A_431 : vector<448x896xi1>, vector<448x896xf32>
      scf.yield %select_n3A_454, %sub3A_451, %select_n3A_447 : vector<448x896xf32>, vector<448x1xf32>, vector<448x1xf32>
    }
    %ge3A_385 = vector.broadcast %while3A#2 : vector<448x1xf32> to vector<448x896xf32>
    %ge3A_386 = arith.cmpf oge, %max3A_21, %ge3A_385 : vector<448x896xf32>
    %jit3A_387 = arith.constant 0.000000e+00 : f32
    %broadcast_in_dim3A_388 = vector.broadcast %jit3A_387 : f32 to vector<448x896xf32>
    %select_n3A_389 = arith.select %ge3A_386, %max3A_21, %broadcast_in_dim3A_388 : vector<448x896xi1>, vector<448x896xf32>
    %get3A_390 = arith.constant 0 : index
    %get3A_391 = arith.constant 0 : index
    %get3A_392 = arith.constant 0 : index
    %get3A_393 = vector.load %arg3[%get3A_390, %get3A_391, %get3A_392] : memref<1x896x128xf32, #tpu.memory_space<vmem>>, vector<1x896x128xf32>
    %get3A_394 = vector.shape_cast %get3A_393 : vector<1x896x128xf32> to vector<896x128xf32>
    %dot_general3A_395 = arith.constant dense<0.000000e+00> : vector<448x128xf32>
    %dot_general3A_396 = tpu.matmul %select_n3A_389, %get3A_394, %dot_general3A_395 {dimension_numbers = #tpu.dot_dimension_numbers<[1], [0], [0], [1], [0, 0, 1, 1], [], []>, transpose_lhs_hint = false} : vector<448x896xf32>, vector<896x128xf32>, vector<448x128xf32> -> vector<448x128xf32>
    %mul3A_397 = arith.constant 448 : i32
    %mul3A_398 = arith.muli %arg1, %mul3A_397 : i32
    %get3A_399 = arith.index_cast %mul3A_398 : i32 to index
    %get3A_400 = arith.constant 0 : index
    %get3A_401 = vector.load %arg4[%get3A_399, %get3A_400] : memref<896x896xf32, #tpu.memory_space<vmem>>, vector<448x896xf32>
    %dot_general3A_402 = arith.constant dense<0.000000e+00> : vector<448x128xf32>
    %dot_general3A_403 = tpu.matmul %get3A_401, %get3A_394, %dot_general3A_402 {dimension_numbers = #tpu.dot_dimension_numbers<[1], [0], [0], [1], [0, 0, 1, 1], [], []>, transpose_lhs_hint = false} : vector<448x896xf32>, vector<896x128xf32>, vector<448x128xf32> -> vector<448x128xf32>
    %mul3A_404 = arith.constant 448 : i32
    %mul3A_405 = arith.muli %arg1, %mul3A_404 : i32
    %get3A_406 = arith.constant 0 : index
    %get3A_407 = arith.index_cast %mul3A_405 : i32 to index
    %get3A_408 = arith.constant 0 : index
    %get3A_409 = vector.load %arg3[%get3A_406, %get3A_407, %get3A_408] : memref<1x896x128xf32, #tpu.memory_space<vmem>>, vector<1x448x128xf32>
    %get3A_410 = vector.shape_cast %get3A_409 : vector<1x448x128xf32> to vector<448x128xf32>
    %add3A_411 = arith.addf %dot_general3A_403, %dot_general3A_396 : vector<448x128xf32>
    %add3A_412 = arith.addf %add3A_411, %get3A_410 : vector<448x128xf32>
    %max3A_413 = arith.constant 0.000000e+00 : f32
    %max3A_414 = vector.broadcast %max3A_413 : f32 to vector<448x128xf32>
    %max3A_415 = arith.maximumf %add3A_412, %max3A_414 : vector<448x128xf32>
    %get3A_416 = arith.constant 0 : index
    %get3A_417 = arith.constant 0 : index
    %get3A_418 = vector.load %arg5[%get3A_416, %get3A_417] : memref<128x12xf32, #tpu.memory_space<vmem>>, vector<128x12xf32>
    %dot_general3A_419 = arith.constant dense<0.000000e+00> : vector<448x12xf32>
    %dot_general3A_420 = tpu.matmul %max3A_415, %get3A_418, %dot_general3A_419 {dimension_numbers = #tpu.dot_dimension_numbers<[1], [0], [0], [1], [0, 0, 1, 1], [], []>, transpose_lhs_hint = false} : vector<448x128xf32>, vector<128x12xf32>, vector<448x12xf32> -> vector<448x12xf32>
    %get3A_421 = arith.constant 0 : index
    %get3A_422 = arith.constant 0 : index
    %get3A_423 = vector.load %arg6[%get3A_421, %get3A_422] : memref<1x12xf32, #tpu.memory_space<vmem>>, vector<1x12xf32>
    %add3A_424 = vector.broadcast %get3A_423 : vector<1x12xf32> to vector<448x12xf32>
    %add3A_425 = arith.addf %dot_general3A_420, %add3A_424 : vector<448x12xf32>
    %swap3A = arith.constant 0 : index
    %swap3A_426 = arith.constant 0 : index
    %swap3A_427 = arith.constant 0 : index
    %swap3A_428 = vector.load %arg7[%swap3A, %swap3A_426, %swap3A_427] : memref<1x448x12xf32, #tpu.memory_space<vmem>>, vector<1x448x12xf32>
    %swap3A_429 = vector.shape_cast %swap3A_428 : vector<1x448x12xf32> to vector<448x12xf32>
    %swap3A_430 = vector.shape_cast %add3A_425 : vector<448x12xf32> to vector<1x448x12xf32>
    tpu.vector_store %arg7[%swap3A, %swap3A_426, %swap3A_427], %swap3A_430 {strides = array<i32>} : memref<1x448x12xf32, #tpu.memory_space<vmem>>, vector<1x448x12xf32>,
    return
  }
  func.func @transform_0(%arg0: i32, %arg1: i32) -> (i32, i32, i32) {
    %c0_i32 = arith.constant 0 : i32
    %c0_i32_0 = arith.constant 0 : i32
    %c0_i32_1 = arith.constant 0 : i32
    return %arg0, %c0_i32, %c0_i32_0 : i32, i32, i32
  }
  func.func @transform_1(%arg0: i32, %arg1: i32) -> (i32, i32, i32) {
    %c0_i32 = arith.constant 0 : i32
    %c0_i32_0 = arith.constant 0 : i32
    %c0_i32_1 = arith.constant 0 : i32
    return %arg0, %c0_i32, %c0_i32_0 : i32, i32, i32
  }
  func.func @transform_2(%arg0: i32, %arg1: i32) -> (i32, i32) {
    %c0_i32 = arith.constant 0 : i32
    %c0_i32_0 = arith.constant 0 : i32
    %c0_i32_1 = arith.constant 0 : i32
    return %c0_i32, %c0_i32_0 : i32, i32
  }
  func.func @transform_3(%arg0: i32, %arg1: i32) -> (i32, i32) {
    %c0_i32 = arith.constant 0 : i32
    %c0_i32_0 = arith.constant 0 : i32
    %c0_i32_1 = arith.constant 0 : i32
    return %c0_i32, %c0_i32_0 : i32, i32
  }
  func.func @transform_4(%arg0: i32, %arg1: i32) -> (i32, i32) {
    %c0_i32 = arith.constant 0 : i32
    %c0_i32_0 = arith.constant 0 : i32
    %c0_i32_1 = arith.constant 0 : i32
    return %c0_i32, %c0_i32_0 : i32, i32
  }
  func.func @transform_5(%arg0: i32, %arg1: i32) -> (i32, i32, i32) {
    %c0_i32 = arith.constant 0 : i32
    %c0_i32_0 = arith.constant 0 : i32
    return %arg0, %arg1, %c0_i32 : i32, i32, i32
  }
}

</mosaic_0001>

<sc_bundles>
// kernel: kernel.6.cloned.1.call-start
scs
__scs_entry_jumppad:
0x0: {  	(pc) =	sbr.rel $0x88, $3  }
0x1: {  	(tag) =	ssettag $0x0;
	lr =	simm.s32 $0x1  }
0x2: {  	[smem:$0x3F90] =	sst lr;
	_ =	strace $0xD0000000  }
0x3: {  	_ = 	snop  }
0x4: {  	_ = 	snop  }
0x5: {  	_ = 	snop  }
0x6: {  	_ = 	snop  }
0x7: {  	_ = 	snop  }
__scs_overlays_trampoline_lowered:
0x8: {  	[smem:$0x3F9F] =	sst s0  }
0x9: {  	[smem:$0x3FA0] =	sst s1  }
0xa: {  	[smem:$0x3FA1] =	sst s2  }
0xb: {  	[smem:$0x3FA2] =	sst s3  }
0xc: {  	[smem:$0x3FA3] =	sst s4  }
0xd: {  	[smem:$0x3FA4] =	sst s5  }
0xe: {  	[smem:$0x3FA5] =	sst s6  }
0xf: {  	[smem:$0x3FA6] =	sst s7  }
0x10: {  	[smem:$0x3FA7] =	sst s8  }
0x11: {  	[smem:$0x3FA8] =	sst s9;
	s0 =	simm.s32 @!p0 $0x0  }
0x12: {  	s1 =	sld [smem:$0x3F8E];
	s0 =	simm.s32 @p0 $0x1  }
0x13: {  	[smem:$0x3FA9] =	sst s0;
	s0 =	simm.s32 @!p1 $0x0  }
0x14: {  	s2 =	sld [smem:$0x3F8D];
	s0 =	simm.s32 @p1 $0x1  }
0x15: {  	[smem:$0x3FAA] =	sst s0;
	s0 =	simm.s32 @!p2 $0x0  }
0x16: {  	s3 =	sld [smem:$0x3FDB];
	s0 =	simm.s32 @p2 $0x1  }
0x17: {  	s4 =	simm.s32 $0x1BF5;
	[smem:$0x3FAC] =	sst s0  }
0x18: {  	s0 =	sld [smem:$0x3F8F];
	_ =	swait.ge [sflag:s4], $0x0  }
0x19: {  	s7 =	sld [smem:$0x3F90]  }
0x1a: {  	s8 =	sadd.s32 $0xFFFFE003, lr  }
0x1b: {  	s9 =	sadd.s32 $0xFFFFFEF7, lr;
	s5 =	simm.s32 $0xFFFFFFFF;
	p2 =	slt.u32 s8, $0xFFFFF086  }
0x1c: {  	p1 =	slt.u32 s9, $0xF7A;
	s5 =	simm.s32 @!p2 $0x0  }
0x1d: {  	s5 =	simm.s32 @p1 $0x1;
	p0 =	seq.s32 s7, s2  }
0x1e: {  	s7 =	smul.u32 @!p0 $0xF7A, s2;
	p2 =	seq.s32 @!p0 s5, $0x0  }
0x1f: {  	s9 =	smul.u32 $0xF7A, s1;
	s8 =	simm.s32 @!p0 $0x1BF5;
	p2 =	por !p2, p0  }
0x20: {  	[sflag:s8] =	ssyncset.s32 @!p0 $0xFFFFF086;
	s6 =	sadd.s32 @!p0 s3, s7;
	s7 =	simm.s32 @!p0 $0x108  }
0x21: {  	s3 =	sadd.s32 s3, s9;
	s6 =	sadd.s32 @!p0 $0x88, s6;
	s7 =	simm.s32 @p2 $0x1082  }
0x22: {  	[simem:s7], [sflag:s8] =	dma.local @!p0 [hbm:s6], $0xF7A  }
0x23: {  	s9 =	sor.u32 $0xD0000000, s2;
	s6 =	simm.s32 $0x108;
	_ =	swait.ge @!p0 [sflag:s8], $0x0  }
0x24: {  	s3 =	sadd.s32 $0x88, s3;
	s6 =	simm.s32 @!p1 $0x1082;
	[sflag:s4] =	ssyncset.s32 $0xFFFFF086  }
0x25: {  	[simem:s6], [sflag:s4] =	dma.local [hbm:s3], $0xF7A  }
0x26: {  	[smem:$0x3F90] =	sst s1;
	(tag) =	ssettag s2;
	_ =	strace s9  }
0x27: {  	s1 =	sld [smem:$0x3FA0]  }
0x28: {  	s2 =	sld [smem:$0x3FA1]  }
0x29: {  	s4 =	sld [smem:$0x3FA3]  }
0x2a: {  	p0 =	seq.s32 s5, $0x0;
	s5 =	sld [smem:$0x3FA4]  }
0x2b: {  	s6 =	sld [smem:$0x3FA5]  }
0x2c: {  	s7 =	sld [smem:$0x3FA6]  }
0x2d: {  	s3 =	simm.s32 $0x108;
	s8 =	sld [smem:$0x3FA7]  }
0x2e: {  	s3 =	simm.s32 @!p0 $0x1082;
	s9 =	sld [smem:$0x3FA8]  }
0x2f: {  	lr =	sadd.s32 s0, s3;
	s0 =	sld [smem:$0x3F9F]  }
0x30: {  	s3 =	sld [smem:$0x3FA2]  }
0x31: {  	[smem:$0x3FAB] =	sst s10  }
0x32: {  	s10 =	sld [smem:$0x3FA9];
	_ =	sdelay $0x3  }
0x33: {  	p0 =	seq.s32 s10, $0x1;
	s10 =	sld [smem:$0x3FAB];
	_ =	sdelay $0x3  }
0x34: {  	[smem:$0x3FAB] =	sst s10  }
0x35: {  	s10 =	sld [smem:$0x3FAA];
	_ =	sdelay $0x3  }
0x36: {  	p1 =	seq.s32 s10, $0x1;
	s10 =	sld [smem:$0x3FAB];
	_ =	sdelay $0x3  }
0x37: {  	[smem:$0x3FAB] =	sst s10  }
0x38: {  	s10 =	sld [smem:$0x3FAC]  }
0x39: {  	_ = 	snop;
	(pc) =	sbr.ind lr, $3  }
0x3a: {  	_ = 	snop  }
0x3b: {  	_ = 	snop  }
0x3c: {  	p2 =	seq.s32 s10, $0x1;
	s10 =	sld [smem:$0x3FAB]  }
0x3d: {  	_ =	shalt  }
0x3e: {  	_ =	shalt  }
0x3f: {  	_ =	shalt  }
0x40: {  	_ =	shalt  }
0x41: {  	_ =	shalt  }
0x42: {  	_ =	shalt  }
0x43: {  	_ =	shalt  }
0x44: {  	_ =	shalt  }
0x45: {  	_ =	shalt  }
0x46: {  	_ =	shalt  }
0x47: {  	_ =	shalt  }
0x48: {  	_ =	shalt  }
0x49: {  	_ =	shalt  }
0x4a: {  	_ =	shalt  }
0x4b: {  	_ =	shalt  }
0x4c: {  	_ =	shalt  }
0x4d: {  	_ =	shalt  }
0x4e: {  	_ =	shalt  }
0x4f: {  	_ =	shalt  }
0x50: {  	_ =	shalt  }
0x51: {  	_ =	shalt  }
0x52: {  	_ =	shalt  }
0x53: {  	_ =	shalt  }
0x54: {  	_ =	shalt  }
0x55: {  	_ =	shalt  }
0x56: {  	_ =	shalt  }
0x57: {  	_ =	shalt  }
0x58: {  	_ =	shalt  }
0x59: {  	_ =	shalt  }
0x5a: {  	_ =	shalt  }
0x5b: {  	_ =	shalt  }
0x5c: {  	_ =	shalt  }
0x5d: {  	_ =	shalt  }
0x5e: {  	_ =	shalt  }
0x5f: {  	_ =	shalt  }
0x60: {  	_ =	shalt  }
0x61: {  	_ =	shalt  }
0x62: {  	_ =	shalt  }
0x63: {  	_ =	shalt  }
0x64: {  	_ =	shalt  }
0x65: {  	_ =	shalt  }
0x66: {  	_ =	shalt  }
0x67: {  	_ =	shalt  }
0x68: {  	_ =	shalt  }
0x69: {  	_ =	shalt  }
0x6a: {  	_ =	shalt  }
0x6b: {  	_ =	shalt  }
0x6c: {  	_ =	shalt  }
0x6d: {  	_ =	shalt  }
0x6e: {  	_ =	shalt  }
0x6f: {  	_ =	shalt  }
0x70: {  	_ =	shalt  }
0x71: {  	_ =	shalt  }
0x72: {  	_ =	shalt  }
0x73: {  	_ =	shalt  }
0x74: {  	_ =	shalt  }
0x75: {  	_ =	shalt  }
0x76: {  	_ =	shalt  }
0x77: {  	_ =	shalt  }
0x78: {  	_ =	shalt  }
0x79: {  	_ =	shalt  }
0x7a: {  	_ =	shalt  }
0x7b: {  	_ =	shalt  }
0x7c: {  	_ =	shalt  }
0x7d: {  	_ =	shalt  }
0x7e: {  	_ =	shalt  }
0x7f: {  	_ =	shalt  }
0x80: {  	_ =	shalt  }
0x81: {  	_ =	shalt  }
0x82: {  	_ =	shalt  }
0x83: {  	_ =	shalt  }
0x84: {  	_ =	shalt  }
0x85: {  	_ =	shalt  }
0x86: {  	_ =	shalt  }
0x87: {  	_ =	shalt  }
.Lfunc_end0:
.L_simem_size_0:
called_computation_lowered:
.L_overlay_start_0:
0x88: {  	s2 =	sld [smem:$0x3FD9]  }
0x89: {  	s3 =	sld [smem:$0x3FFE];
	_ =	sdelay $0x1  }
0x8a: {  	s1 =	srdreg.scid  }
0x8b: {  	s0 =	sand.u32 $0x1, s1  }
0x8c: {  	s17 =	sshll.u32 s0, $0xA;
	s2 =	sadd.s32 s3, s2  }
0x8d: {  	s2 =	sadd.s32 s2, s17  }
0x8e: {  	[smem:$0x3FB7] =	sst s2  }
0x8f: {  	_ = 	snop  }
0x90: {  	s2 =	sld [smem:$0x3FD0];
	(tm) =	ssettm $0x1  }
0x91: {  	s18 =	sld [smem:$0x3FFB];
	_ =	sdelay $0x3  }
0x92: {  	_ =	strace s18  }
0x93: {  	s3 =	sld [smem:$0x3FFC];
	_ =	sdelay $0x3  }
0x94: {  	_ =	strace s3  }
0x95: {  	s3 =	sld [smem:$0x3FFD];
	_ =	sdelay $0x3  }
0x96: {  	_ =	strace s3  }
0x97: {  	_ =	strace $0x8FFFFFFF  }
0x98: {  	s19 =	sld [smem:$0x3FDB];
	_ =	sdelay $0x1  }
0x99: {  	s4 =	simm.s32 $_scs_section_size  }
0x9a: {  	s5 =	simm.s32 $_size__tile_overlayer_lowered;
	s6 =	simm.s32 $_tile_overlayer_lowered  }
0x9b: {  	s22 =	simm.s32 $0x1BFF;
	s21 =	sshll.u32 s6, $0x1;
	s3 =	sadd.s32 s4, s19  }
0x9c: {  	s7 =	simm.s32 $0x0;
	s20 =	sshll.u32 s5, $0x1;
	s5 =	sadd.s32 s21, s3  }
0x9d: {  	[timem:s7], [sflag:s22] =	dma.local [hbm:s5], s20  }
0x9e: {  	_ =	swait.ge [sflag:s22], s20  }
0x9f: {  	s4 =	ssub.s32 $0x0, s20;
	[sflag:s22] =	ssyncset.done $0x0  }
0xa0: {  	[sflag:s22] =	ssyncadd.s32 s4;
	_ =	sdelay $0x1  }
0xa1: {  	s23 =	simm.s32 $0x1B8B  }
0xa2: {  	_ =	swait.ge [sflag:s23], $0x1  }
0xa3: {  	[sflag:s23] =	ssyncset.done $0x0  }
0xa4: {  	s25 =	simm.s32 $0x1B8E;
	s24 =	sld [smem:$0x3FFE];
	[sflag:s23] =	ssyncadd.s32 $0xFFFFFFFF  }
0xa5: {  	s26 =	simm.s32 $execute0_lowered;
	[smem:$0x3FD2] =	sst s25  }
0xa6: {  	s5 =	sshll.u32 s26, $0x1;
	_ =	strace $0x80000046;
	[dreg:$0x1] =	wrdreg $0xFFFFFFFF  }
0xa7: {  	s28 =	simm.s32 $_size_execute0_lowered;
	s3 =	sadd.s32 s3, s5;
	[dreg:$0x0] =	wrdreg $0x0  }
0xa8: {  	s5 =	sshll.u32 s28, $0x1;
	[dreg:$0x2] =	wrdreg s3  }
0xa9: {  	[dreg:$0x3] =	wrdreg s5  }
0xaa: {  	[dreg:$0x4] =	wrdreg $0xC0  }
0xab: {  	_ =	task [dreg:s7], $0x5FFFF  }
0xac: {  	[dreg:$0x1] =	wrdreg $0xFFFFFFFF  }
0xad: {  	[dreg:$0x0] =	wrdreg $0x60  }
0xae: {  	[dreg:$0x2] =	wrdreg s24  }
0xaf: {  	[dreg:$0x3] =	wrdreg s2  }
0xb0: {  	[dreg:$0x4] =	wrdreg $0x9  }
0xb1: {  	_ =	task.clear_ibuf [dreg:s7], $0x5FFFF;
	_ =	strace $0x90000046  }
0xb2: {  	s29 =	simm.s32 $0x9;
	_ =	strace $0x80000048  }
0xb3: {  	_ =	swait.ge [sflag:s29], $0x1  }
0xb4: {  	[sflag:s29] =	ssyncadd.s32 $0xFFFFFFFF  }
0xb5: {  	_ =	strace $0x90000048  }
0xb6: {  	_ =	sfence  }
0xb7: {  	s30 =	sld [smem:$0x0];
	_ =	sdelay $0x2  }
0xb8: {  	s31 =	sshll.u32 s1, $0xD;
	s1 =	sshrl.u32 s1, $0x2  }
0xb9: {  	s3 =	sand.u32 $0x4000, s31;
	s1 =	sadd.s32 s1, s30  }
0xba: {  	s0 =	sor.u32 s3, s0;
	s1 =	sshll.u32 s1, $0x11  }
0xbb: {  	s0 =	sor.u32 s1, s0  }
0xbc: {  	s0 =	sadd.s32 $0x8F2B, s0  }
0xbd: {  	[sflag:s0] =	ssyncadd.remote.s32 $0x1  }
0xbe: {  	_ =	sfence.sel $0xFFFF  }
0xbf: {  	[dreg:$0x0] =	wrdreg $0xFFFFFFFF;
	(pc) =	sbr.abs _section_cstart, $3  }
0xc0: {  	[dreg:$0x1] =	wrdreg $0xFFFFFFFF  }
0xc1: {  	_ =	task.clear_ibuf [dreg:s7], $0x2FFFF;
	_ =	strace $0x9FFFFFFF  }
0xc2: {  	(tm) =	ssettm $0x7FFFFFFF  }
0xc3: {  	_ =	shalt  }
tec
execute0_lowered:
.L_overlay_start_1:
0x0: {  	(tag) =	ssettag $0x1  }
0x1: {  	s1 =	srdreg.scid;
	s0 =	stileid.u32  }
0x2: {  	s13 =	rddreg [dreg:$0x0];
	s14 =	sand.u32 $0x1, s1;
	s30 =	sshll.u32 s0, $0x1  }
0x3: {  	s3 =	rddreg [dreg:$0x1];
	s12 =	sor.u32 s14, s30  }
0x4: {  	s2 =	simm.s32 $0x0;
	s1 =	rddreg [dreg:$0x2];
	s5 =	smul.u32 $0x70, s12  }
0x5: {  	[smem:$0x7FF] =	sst s2  }
0x6: {  	_ =	strace $0x80000047;
	s4 =	sadd.s32 s3, s5;
	s3 =	simm.s32 $0x3  }
0x7: {  	[tilespmem:s2], [sflag:$0x3] =	stream.linear.gather [hbm4b:s4+s2], $0x380, $0x38;
	[tilespmem:$0xE700] =	vst v63  }
0x8: {  	_ =	swait.ge [sflag:s3], $0x380  }
0x9: {  	s5 =	sadd.s32 s5, s13;
	[sflag:s3] =	ssyncset.done $0x0  }
0xa: {  	s6 =	simm.s32 $0x7380;
	s5 =	sadd.s32 $0x2C00, s5;
	[sflag:s3] =	ssyncadd.s32 $0xFFFFFC80  }
0xb: {  	[tilespmem:s6], [sflag:$0x3] =	stream.linear.gather [hbm4b:s5+s2], $0x380, $0x38;
	[tilespmem:$0xE700] =	vst v63  }
0xc: {  	_ =	swait.ge [sflag:s3], $0x380  }
0xd: {  	[sflag:s3] =	ssyncset.done $0x0  }
0xe: {  	s8 =	simm.s32 $0x380;
	s7 =	sadd.s32 $0x3A00, s13;
	[sflag:s3] =	ssyncadd.s32 $0xFFFFFC80  }
0xf: {  	[tilespmem:s8], [sflag:$0x1] =	stream.indirect.gather [hbm4b:s7+s8], $0x20, s2, s8, $0xb8;
	[tilespmem:$0xE700] =	vst v63  }
0x10: {  	s10 =	simm.s32 $0x7700;
	s11 =	simm.s32 $0x1;
	s9 =	sadd.s32 $0x4000, s13  }
0x11: {  	[tilespmem:s10], [sflag:$0x2] =	stream.indirect.gather [hbm4b:s9+s8], $0x20, s6, s8, $0xb8;
	[tilespmem:$0xE700] =	vst v63  }
0x12: {  	_ =	swait.ge [sflag:s11], $0x7000  }
0x13: {  	s14 =	ssub.s32 $0x2, s14;
	[sflag:s11] =	ssyncset.done $0x0  }
0x14: {  	s15 =	smul.u32 $0xE00, s12;
	s12 =	simm.s32 $0x2;
	[sflag:s11] =	ssyncadd.s32 $0xFFFF9000  }
0x15: {  	s16 =	sshrl.u32 s14, $0x1;
	_ =	swait.ge [sflag:s12], $0x7000  }
0x16: {  	s16 =	ssub.s32 s14, s16;
	s15 =	sadd.s32 s15, s13;
	[sflag:s12] =	ssyncset.done $0x0  }
0x17: {  	s31 =	smax.u32 s16, $0x1;
	s13 =	sadd.s32 $0x4200, s15;
	[sflag:s12] =	ssyncadd.s32 $0xFFFF9000  }
0x18: {  	[hbm4b:s13+s2] =	stream.linear.scatter [tilespmem:s8], [sflag:$0x3], $0x7000, $0x38;
	[tilespmem:$0xE700] =	vst v63  }
0x19: {  	p0 =	sne.s32 s31, $0x1;
	_ =	swait.ge [sflag:s3], $0x7000  }
.Ltmp0:
0x1a: {  	[sflag:s3] =	ssyncset.done $0x0;
	(pc) =	sbr.rel @!p0 .LBB2_2-.Ltmp0, $4  }
0x1b: {  	s14 =	sadd.s32 $0x20200, s15;
	[sflag:s3] =	ssyncadd.s32 $0xFFFF9000  }
0x1c: {  	[hbm4b:s14+s2] =	stream.linear.scatter [tilespmem:s10], [sflag:$0x3], $0x7000, $0x38;
	[tilespmem:$0xE700] =	vst v63  }
0x1d: {  	_ =	swait.ge [sflag:s3], $0x7000  }
0x1e: {  	s15 =	sadd.s32 $0xFFFFFFFF, s31;
	[sflag:s3] =	ssyncset.done $0x0  }
.LBB2_1:
0x1f: {  	p0 =	sne.s32 s15, $0x1;
	s15 =	sadd.s32 $0xFFFFFFFF, s15;
	[sflag:s3] =	ssyncadd.s32 $0xFFFF9000  }
0x20: {  	[tilespmem:s2], [sflag:$0x3] =	stream.linear.gather [hbm4b:s4+s2], $0x380, $0x38;
	[tilespmem:$0xE700] =	vst v63  }
0x21: {  	_ =	swait.ge [sflag:s3], $0x380  }
0x22: {  	[sflag:s3] =	ssyncset.done $0x0  }
0x23: {  	[sflag:s3] =	ssyncadd.s32 $0xFFFFFC80  }
0x24: {  	[tilespmem:s6], [sflag:$0x3] =	stream.linear.gather [hbm4b:s5+s2], $0x380, $0x38;
	[tilespmem:$0xE700] =	vst v63  }
0x25: {  	_ =	swait.ge [sflag:s3], $0x380  }
0x26: {  	[sflag:s3] =	ssyncset.done $0x0  }
0x27: {  	[sflag:s3] =	ssyncadd.s32 $0xFFFFFC80  }
0x28: {  	[tilespmem:s8], [sflag:$0x1] =	stream.indirect.gather [hbm4b:s7+s8], $0x20, s2, s8, $0xb8;
	[tilespmem:$0xE700] =	vst v63  }
0x29: {  	_ = 	snop  }
0x2a: {  	[tilespmem:s10], [sflag:$0x2] =	stream.indirect.gather [hbm4b:s9+s8], $0x20, s6, s8, $0xb8;
	[tilespmem:$0xE700] =	vst v63  }
0x2b: {  	_ =	swait.ge [sflag:s11], $0x7000  }
0x2c: {  	[sflag:s11] =	ssyncset.done $0x0  }
0x2d: {  	[sflag:s11] =	ssyncadd.s32 $0xFFFF9000  }
0x2e: {  	_ =	swait.ge [sflag:s12], $0x7000  }
0x2f: {  	[sflag:s12] =	ssyncset.done $0x0  }
0x30: {  	[sflag:s12] =	ssyncadd.s32 $0xFFFF9000  }
0x31: {  	[hbm4b:s13+s2] =	stream.linear.scatter [tilespmem:s8], [sflag:$0x3], $0x7000, $0x38;
	[tilespmem:$0xE700] =	vst v63  }
0x32: {  	_ =	swait.ge [sflag:s3], $0x7000  }
.Ltmp1:
0x33: {  	[sflag:s3] =	ssyncset.done $0x0;
	(pc) =	sbr.rel @p0 .LBB2_1-.Ltmp1, $4  }
0x34: {  	[sflag:s3] =	ssyncadd.s32 $0xFFFF9000  }
0x35: {  	[hbm4b:s14+s2] =	stream.linear.scatter [tilespmem:s10], [sflag:$0x3], $0x7000, $0x38;
	[tilespmem:$0xE700] =	vst v63  }
0x36: {  	_ =	swait.ge [sflag:s3], $0x7000  }
0x37: {  	[sflag:s3] =	ssyncset.done $0x0  }
.LBB2_2:
0x38: {  	[sflag:s3] =	ssyncadd.s32 $0xFFFF9000  }
0x39: {  	_ =	sfence.sel $0x180000  }
0x3a: {  	[bflag:$0x0] =	sbarrier.arrive $0xFFFF  }
0x3b: {  	p0 =	sne.s32 s0, $0x0;
	_ =	strace $0x90000047  }
0x3c: {  	s0 =	sadd.s32 @!p0 $0x100000, s1;
	[bflag:$0x2] =	sbarrier.arrive $0xFFFF  }
0x3d: {  	[sflag:s0] =	ssyncadd.tile.s32 @!p0 $0x1;
	_ =	shalt  }
.Lfunc_end2:
_tile_overlayer_lowered:
.L_overlay_start_2:
0x3e: {  	(tag) =	ssettag $0x2  }
0x3f: {  	s0 =	rddreg [dreg:$0x0];
	s2 =	stileid.u32  }
0x40: {  	s1 =	rddreg [dreg:$0x1];
	p0 =	sne.s32 s2, $0x0  }
0x41: {  	s3 =	rddreg [dreg:$0x2];
	[bflag:$0x3] =	sbarrier.arrive $0xFFFF;
	s2 =	simm.s32 @!p0 $0x1C03  }
0x42: {  	[timem:s3], [sflag:s2] =	dma.local @!p0 [hbm:s0], s1  }
0x43: {  	s0 =	simm.s32 @!p0 $0x3  }
0x44: {  	_ =	swait.ge @!p0 [sflag:s0], s1  }
0x45: {  	s1 =	ssub.s32 @!p0 $0x0, s1;
	[sflag:s0] =	ssyncset.done @!p0 $0x0  }
0x46: {  	[sflag:s0] =	ssyncadd.s32 @!p0 s1  }
0x47: {  	[bflag:$0x3] =	sbarrier.arrive $0xFFFF  }
0x48: {  	_ =	shalt  }

</sc_bundles>
